<compile_context>
chip_gen: v7x
topology: tpu7x:2x2x1
jax: 0.10.2.dev20260603
libtpu: 0.0.44.dev20260713+nightly
codegen_flags: <defaults>
</compile_context>

<pallas_src>
import jax
import jax.numpy as jnp
from jax.experimental import pallas as pl
from jax.experimental.pallas import tpu as pltpu
from jax.experimental.pallas import tpu_sc as plsc

_C = 19
_B = 65536
_EPS = 1e-30
_NCORE = 2
_NSUB = 16
_NU = _NCORE * _NSUB


def _owloss_tc_kernel(g_ref, x_ref, mav_ref, out_ref, wb_ref, acc):
    i = pl.program_id(0)
    nsteps = pl.num_programs(0)

    @pl.when(i == 0)
    def _init():
        acc[...] = jnp.zeros_like(acc)
        mav = mav_ref[...]
        mns = jnp.sum(mav * mav, axis=1, keepdims=True)
        w = mav * jax.lax.rsqrt(jnp.maximum(mns, _EPS))
        wb_ref[...] = w.astype(jnp.bfloat16)

    xt = x_ref[...]
    g = g_ref[0]

    at = jax.lax.dot_general(wb_ref[...], xt, (((1,), (0,)), ((), ())),
                             preferred_element_type=jnp.float32)
    ones_row = jnp.ones((1, _C), jnp.bfloat16)
    nsq = jax.lax.dot_general(ones_row, xt * xt, (((1,), (0,)), ((), ())),
                              preferred_element_type=jnp.float32)
    rnl = jax.lax.rsqrt(jnp.maximum(nsq, _EPS))

    lbl = jax.lax.broadcasted_iota(jnp.int32, (_C, 1), 0)
    msk = lbl == g
    num = jnp.sum(jnp.where(msk, at, 0.0), axis=0, keepdims=True)
    cos = (num * rnl).astype(jnp.bfloat16)
    ohb = msk.astype(jnp.bfloat16)
    z = jax.lax.dot_general(cos, ohb, (((1,), (1,)), ((), ())),
                            preferred_element_type=jnp.float32)
    acc[...] += z

    @pl.when(i == nsteps - 1)
    def _finish():
        out_ref[...] = acc[...]


def _sc_hist(sem_gt):
    per = sem_gt.shape[0] // _NU
    x2 = sem_gt.reshape(_NU, per)
    mesh = plsc.VectorSubcoreMesh(core_axis_name="core",
                                  subcore_axis_name="subcore")

    @pl.kernel(out_type=jax.ShapeDtypeStruct((_NU, _C, 16), jnp.float32),
               mesh=mesh,
               scratch_types=[pltpu.VMEM((per,), jnp.int32),
                              pltpu.VMEM((_C, 16), jnp.float32),
                              pltpu.SemaphoreType.DMA])
    def hist_kernel(x_hbm, o_hbm, buf, acc, dsem):
        u = jax.lax.axis_index("core") * _NSUB + jax.lax.axis_index("subcore")
        pltpu.async_copy(x_hbm.at[u], buf, dsem).wait()

        def body(k, accs):
            v = buf[pl.ds(k * 16, 16)]
            return tuple(accs[l] + jnp.where(v == l, 1.0, 0.0)
                         for l in range(_C))

        accs = jax.lax.fori_loop(
            0, per // 16, body,
            tuple(jnp.zeros((16,), jnp.float32) for _ in range(_C)))
        for l in range(_C):
            acc[l, :] = accs[l]
        pltpu.async_copy(acc, o_hbm.at[u], dsem).wait()

    return hist_kernel(x2)


def _combine_kernel(cs_ref, c3_ref, pc_ref, out_ref):
    cs = cs_ref[...]
    c = jnp.sum(c3_ref[...], axis=(0, 2))[None, :]
    pc = pc_ref[...]
    lbl = jax.lax.broadcasted_iota(jnp.int32, (1, _C), 1)
    present = c > 0.0
    minl = jnp.min(jnp.where(present, lbl, _C))
    include = present & (lbl != minl) & (pc > 0.0)
    means = (c - cs) / jnp.maximum(c, 1.0)
    terms = jnp.where(include, means, 0.0)
    out_ref[...] = jnp.sum(terms, axis=(0, 1), keepdims=True).reshape(1, 1)


def kernel(logits, sem_gt, is_train, mav_table, prev_count):
    n = logits.shape[0]
    nsteps = n // _B
    xt = logits.astype(jnp.bfloat16).T
    g3 = sem_gt.reshape(nsteps, 1, _B)
    pc2 = prev_count.reshape(1, _C)
    c3 = _sc_hist(sem_gt)
    cs = pl.pallas_call(
        _owloss_tc_kernel,
        grid=(nsteps,),
        in_specs=[
            pl.BlockSpec((1, 1, _B), lambda i: (i, 0, 0)),
            pl.BlockSpec((_C, _B), lambda i: (0, i)),
            pl.BlockSpec((_C, _C), lambda i: (0, 0)),
        ],
        out_specs=pl.BlockSpec((1, _C), lambda i: (0, 0)),
        out_shape=jax.ShapeDtypeStruct((1, _C), jnp.float32),
        scratch_shapes=[
            pltpu.VMEM((_C, _C), jnp.bfloat16),
            pltpu.VMEM((1, _C), jnp.float32),
        ],
        compiler_params=pltpu.CompilerParams(
            dimension_semantics=("arbitrary",),
        ),
    )(g3, xt, mav_table)
    out = pl.pallas_call(
        _combine_kernel,
        in_specs=[
            pl.BlockSpec((1, _C), lambda: (0, 0)),
            pl.BlockSpec((_NU, _C, 16), lambda: (0, 0, 0)),
            pl.BlockSpec((1, _C), lambda: (0, 0)),
        ],
        out_specs=pl.BlockSpec((1, 1), lambda: (0, 0)),
        out_shape=jax.ShapeDtypeStruct((1, 1), jnp.float32),
    )(cs, c3, pc2)
    return jnp.reshape(out, ())

# --- scband reference (transcript-rebuilt; emitter-appended) ---
"""Pipeline reference for scband-owloss-14096082666271 (READ-ONLY COPY).

The authoritative reference and input builder live on the scoring server;
editing this copy changes nothing except your own understanding.
"""

import jax, jax.numpy as jnp
import numpy as np

N_CLASSES = 19
N_PIX = 2097152

def setup_inputs(seed: int = 0) -> dict:
    key = jax.random.key(seed)
    k1, k2, k3 = jax.random.split(key, 3)
    logits = jax.random.normal(k1, (N_PIX, N_CLASSES), dtype=jnp.float32)
    sem_gt = jax.random.randint(k2, (N_PIX,), 0, N_CLASSES, dtype=jnp.int32)
    # Module state that must be populated (via update()) for a nontrivial forward:
    # previous_features -> mav_table [C, C], previous_count -> prev_count [C]
    mav_table = jax.random.normal(k3, (N_CLASSES, N_CLASSES), dtype=jnp.float32)
    prev_count = jnp.ones((N_CLASSES,), dtype=jnp.float32)
    return {"logits": logits, "sem_gt": sem_gt, "is_train": 0,
            "mav_table": mav_table, "prev_count": prev_count}

def reference(logits, sem_gt, is_train, mav_table, prev_count):
    # is_train only triggers the no-grad cumulate() state update in the original
    # module; it does not change the returned loss value, so it is ignored here.
    acc_loss = jnp.float32(0.0)
    eps = 1e-8
    presence = jnp.zeros((N_CLASSES,), dtype=bool).at[sem_gt].set(True)
    min_label = jnp.argmax(presence)
    # original loops over gt_labels[1:] (skips the smallest label, e.g. background 0)
    for label in range(N_CLASSES):
        include = presence[label] & (label != min_label) & (prev_count[label] > 0)
        mask = sem_gt == label
        mav = mav_table[label]                            # [C]
        # CosineEmbeddingLoss(reduction='none') with target = +1: 1 - cos_sim
        num = jnp.sum(logits * mav[None, :], axis=1)
        den = jnp.maximum(jnp.linalg.norm(logits, axis=1) * jnp.linalg.norm(mav), eps)
        ew_l1 = 1.0 - num / den                           # hinged=False path
        n_label = jnp.sum(mask)
        mean_ew = jnp.sum(jnp.where(mask, ew_l1, 0.0)) / jnp.maximum(n_label, 1)
        acc_loss = acc_loss + jnp.where(include, mean_ew, jnp.float32(0.0))
    acc_loss = acc_loss + 0.0 * jnp.asarray(is_train, jnp.float32)
    return acc_loss

if __name__ == "__main__":
    import jax
    _d = setup_inputs()
    print(jax.jit(kernel)(*tuple(_d.values())))

</pallas_src>

<mosaic_0001>
#map = affine_map<(d0, d1) -> (0, 0)>
#map1 = affine_map<(d0, d1) -> (0, 0, 0)>
module attributes {stable_mosaic.version = 14 : i64} {
  func.func @hist_kernel(%arg0: i32, %arg1: i32, %arg2: memref<32x65536xi32, #tpu.memory_space<hbm>>, %arg3: memref<32x19x16xf32, #tpu.memory_space<hbm>>, %arg4: memref<65536xi32, #tpu.memory_space<vmem>>, %arg5: memref<19x16xf32, #tpu.memory_space<vmem>>, %arg6: memref<!tpu.dma_semaphore, #tpu.memory_space<semaphore_mem>>) attributes {dimension_semantics = [#tpu.dimension_semantics<core_parallel>, #tpu.dimension_semantics<subcore_parallel>], iteration_bounds = array<i64: 2, 16>, scalar_prefetch = 0 : i64, scratch_operands = 3 : i64, tpu.core_type = #tpu.core_type<sc_vector_subcore>, window_params = [{transform_indices = #map}, {transform_indices = #map1}]} {
    %mul3A = arith.constant 16 : i32
    %mul3A_0 = arith.muli %arg0, %mul3A : i32
    %add3A = arith.addi %mul3A_0, %arg1 : i32
    %dma_start3A = arith.constant 0 : i32
    %dma_start3A_1 = tpu.memref_slice %arg2[%add3A, %dma_start3A] : memref<32x65536xi32, #tpu.memory_space<hbm>> -> memref<1x65536xi32, #tpu.memory_space<hbm>>
    %dma_start3A_2 = tpu.memref_squeeze %dma_start3A_1 : memref<1x65536xi32, #tpu.memory_space<hbm>> -> memref<65536xi32, #tpu.memory_space<hbm>>
    %dma_start3A_3 = arith.constant 0 : i32
    %dma_start3A_4 = tpu.memref_slice %arg2[%add3A, %dma_start3A_3] : memref<32x65536xi32, #tpu.memory_space<hbm>> -> memref<1x65536xi32, #tpu.memory_space<hbm>>
    %dma_start3A_5 = tpu.memref_squeeze %dma_start3A_4 : memref<1x65536xi32, #tpu.memory_space<hbm>> -> memref<65536xi32, #tpu.memory_space<hbm>>
    tpu.enqueue_dma source(%dma_start3A_5 : memref<65536xi32, #tpu.memory_space<hbm>>) target(%arg4 : memref<65536xi32, #tpu.memory_space<vmem>>) target_semaphore(%arg6 : memref<!tpu.dma_semaphore, #tpu.memory_space<semaphore_mem>>)
    %dma_wait3A = arith.constant 0 : i32
    %dma_wait3A_6 = tpu.memref_slice %arg2[%add3A, %dma_wait3A] : memref<32x65536xi32, #tpu.memory_space<hbm>> -> memref<1x65536xi32, #tpu.memory_space<hbm>>
    %dma_wait3A_7 = tpu.memref_squeeze %dma_wait3A_6 : memref<1x65536xi32, #tpu.memory_space<hbm>> -> memref<65536xi32, #tpu.memory_space<hbm>>
    %dma_wait3A_8 = arith.constant 0 : i32
    %dma_wait3A_9 = tpu.memref_slice %arg2[%add3A, %dma_wait3A_8] : memref<32x65536xi32, #tpu.memory_space<hbm>> -> memref<1x65536xi32, #tpu.memory_space<hbm>>
    %dma_wait3A_10 = tpu.memref_squeeze %dma_wait3A_9 : memref<1x65536xi32, #tpu.memory_space<hbm>> -> memref<65536xi32, #tpu.memory_space<hbm>>
    tpu.wait_dma2 semaphore(%arg6 : memref<!tpu.dma_semaphore, #tpu.memory_space<semaphore_mem>>) src(%dma_wait3A_10 : memref<65536xi32, #tpu.memory_space<hbm>>) dst(%arg4 : memref<65536xi32, #tpu.memory_space<vmem>>)
    %broadcast_in_dim3A = arith.constant 0.000000e+00 : f32
    %broadcast_in_dim3A_11 = vector.broadcast %broadcast_in_dim3A : f32 to vector<16xf32>
    %broadcast_in_dim3A_12 = arith.constant 0.000000e+00 : f32
    %broadcast_in_dim3A_13 = vector.broadcast %broadcast_in_dim3A_12 : f32 to vector<16xf32>
    %broadcast_in_dim3A_14 = arith.constant 0.000000e+00 : f32
    %broadcast_in_dim3A_15 = vector.broadcast %broadcast_in_dim3A_14 : f32 to vector<16xf32>
    %broadcast_in_dim3A_16 = arith.constant 0.000000e+00 : f32
    %broadcast_in_dim3A_17 = vector.broadcast %broadcast_in_dim3A_16 : f32 to vector<16xf32>
    %broadcast_in_dim3A_18 = arith.constant 0.000000e+00 : f32
    %broadcast_in_dim3A_19 = vector.broadcast %broadcast_in_dim3A_18 : f32 to vector<16xf32>
    %broadcast_in_dim3A_20 = arith.constant 0.000000e+00 : f32
    %broadcast_in_dim3A_21 = vector.broadcast %broadcast_in_dim3A_20 : f32 to vector<16xf32>
    %broadcast_in_dim3A_22 = arith.constant 0.000000e+00 : f32
    %broadcast_in_dim3A_23 = vector.broadcast %broadcast_in_dim3A_22 : f32 to vector<16xf32>
    %broadcast_in_dim3A_24 = arith.constant 0.000000e+00 : f32
    %broadcast_in_dim3A_25 = vector.broadcast %broadcast_in_dim3A_24 : f32 to vector<16xf32>
    %broadcast_in_dim3A_26 = arith.constant 0.000000e+00 : f32
    %broadcast_in_dim3A_27 = vector.broadcast %broadcast_in_dim3A_26 : f32 to vector<16xf32>
    %broadcast_in_dim3A_28 = arith.constant 0.000000e+00 : f32
    %broadcast_in_dim3A_29 = vector.broadcast %broadcast_in_dim3A_28 : f32 to vector<16xf32>
    %broadcast_in_dim3A_30 = arith.constant 0.000000e+00 : f32
    %broadcast_in_dim3A_31 = vector.broadcast %broadcast_in_dim3A_30 : f32 to vector<16xf32>
    %broadcast_in_dim3A_32 = arith.constant 0.000000e+00 : f32
    %broadcast_in_dim3A_33 = vector.broadcast %broadcast_in_dim3A_32 : f32 to vector<16xf32>
    %broadcast_in_dim3A_34 = arith.constant 0.000000e+00 : f32
    %broadcast_in_dim3A_35 = vector.broadcast %broadcast_in_dim3A_34 : f32 to vector<16xf32>
    %broadcast_in_dim3A_36 = arith.constant 0.000000e+00 : f32
    %broadcast_in_dim3A_37 = vector.broadcast %broadcast_in_dim3A_36 : f32 to vector<16xf32>
    %broadcast_in_dim3A_38 = arith.constant 0.000000e+00 : f32
    %broadcast_in_dim3A_39 = vector.broadcast %broadcast_in_dim3A_38 : f32 to vector<16xf32>
    %broadcast_in_dim3A_40 = arith.constant 0.000000e+00 : f32
    %broadcast_in_dim3A_41 = vector.broadcast %broadcast_in_dim3A_40 : f32 to vector<16xf32>
    %broadcast_in_dim3A_42 = arith.constant 0.000000e+00 : f32
    %broadcast_in_dim3A_43 = vector.broadcast %broadcast_in_dim3A_42 : f32 to vector<16xf32>
    %broadcast_in_dim3A_44 = arith.constant 0.000000e+00 : f32
    %broadcast_in_dim3A_45 = vector.broadcast %broadcast_in_dim3A_44 : f32 to vector<16xf32>
    %broadcast_in_dim3A_46 = arith.constant 0.000000e+00 : f32
    %broadcast_in_dim3A_47 = vector.broadcast %broadcast_in_dim3A_46 : f32 to vector<16xf32>
    %scan3A = arith.constant 0 : i32
    %scan3A_48 = arith.constant 4096 : i32
    %scan3A_49 = arith.addi %scan3A, %scan3A_48 : i32
    %scan3A_50 = arith.constant 1 : i32
    %scan3A_51:19 = scf.for %scan3A_182 = %scan3A to %scan3A_49 step %scan3A_50 iter_args(%scan3A_183 = %broadcast_in_dim3A_11, %scan3A_184 = %broadcast_in_dim3A_13, %scan3A_185 = %broadcast_in_dim3A_15, %scan3A_186 = %broadcast_in_dim3A_17, %scan3A_187 = %broadcast_in_dim3A_19, %scan3A_188 = %broadcast_in_dim3A_21, %scan3A_189 = %broadcast_in_dim3A_23, %scan3A_190 = %broadcast_in_dim3A_25, %scan3A_191 = %broadcast_in_dim3A_27, %scan3A_192 = %broadcast_in_dim3A_29, %scan3A_193 = %broadcast_in_dim3A_31, %scan3A_194 = %broadcast_in_dim3A_33, %scan3A_195 = %broadcast_in_dim3A_35, %scan3A_196 = %broadcast_in_dim3A_37, %scan3A_197 = %broadcast_in_dim3A_39, %scan3A_198 = %broadcast_in_dim3A_41, %scan3A_199 = %broadcast_in_dim3A_43, %scan3A_200 = %broadcast_in_dim3A_45, %scan3A_201 = %broadcast_in_dim3A_47) -> (vector<16xf32>, vector<16xf32>, vector<16xf32>, vector<16xf32>, vector<16xf32>, vector<16xf32>, vector<16xf32>, vector<16xf32>, vector<16xf32>, vector<16xf32>, vector<16xf32>, vector<16xf32>, vector<16xf32>, vector<16xf32>, vector<16xf32>, vector<16xf32>, vector<16xf32>, vector<16xf32>, vector<16xf32>)  : i32 {
      %mul3A_202 = arith.constant 16 : i32
      %mul3A_203 = arith.muli %scan3A_182, %mul3A_202 : i32
      %get3A = arith.index_cast %mul3A_203 : i32 to index
      %get3A_204 = tpu.vector_load %arg4[%get3A] {strides = array<i32>} : memref<65536xi32, #tpu.memory_space<vmem>>, vector<16xi32>,
      %get3A_205 = vector.shape_cast %get3A_204 : vector<16xi32> to vector<16xi32>
      %eq3A = arith.constant 0 : i32
      %eq3A_206 = vector.broadcast %eq3A : i32 to vector<16xi32>
      %eq3A_207 = arith.cmpi eq, %get3A_205, %eq3A_206 : vector<16xi32>
      %jit3A = arith.constant 1.000000e+00 : f32
      %jit3A_208 = arith.constant 0.000000e+00 : f32
      %broadcast_in_dim3A_209 = vector.broadcast %jit3A : f32 to vector<16xf32>
      %broadcast_in_dim3A_210 = vector.broadcast %jit3A_208 : f32 to vector<16xf32>
      %select_n3A = arith.select %eq3A_207, %broadcast_in_dim3A_209, %broadcast_in_dim3A_210 : vector<16xi1>, vector<16xf32>
      %add3A_211 = arith.addf %scan3A_183, %select_n3A : vector<16xf32>
      %eq3A_212 = arith.constant 1 : i32
      %eq3A_213 = vector.broadcast %eq3A_212 : i32 to vector<16xi32>
      %eq3A_214 = arith.cmpi eq, %get3A_205, %eq3A_213 : vector<16xi32>
      %jit3A_215 = arith.constant 1.000000e+00 : f32
      %jit3A_216 = arith.constant 0.000000e+00 : f32
      %broadcast_in_dim3A_217 = vector.broadcast %jit3A_215 : f32 to vector<16xf32>
      %broadcast_in_dim3A_218 = vector.broadcast %jit3A_216 : f32 to vector<16xf32>
      %select_n3A_219 = arith.select %eq3A_214, %broadcast_in_dim3A_217, %broadcast_in_dim3A_218 : vector<16xi1>, vector<16xf32>
      %add3A_220 = arith.addf %scan3A_184, %select_n3A_219 : vector<16xf32>
      %eq3A_221 = arith.constant 2 : i32
      %eq3A_222 = vector.broadcast %eq3A_221 : i32 to vector<16xi32>
      %eq3A_223 = arith.cmpi eq, %get3A_205, %eq3A_222 : vector<16xi32>
      %jit3A_224 = arith.constant 1.000000e+00 : f32
      %jit3A_225 = arith.constant 0.000000e+00 : f32
      %broadcast_in_dim3A_226 = vector.broadcast %jit3A_224 : f32 to vector<16xf32>
      %broadcast_in_dim3A_227 = vector.broadcast %jit3A_225 : f32 to vector<16xf32>
      %select_n3A_228 = arith.select %eq3A_223, %broadcast_in_dim3A_226, %broadcast_in_dim3A_227 : vector<16xi1>, vector<16xf32>
      %add3A_229 = arith.addf %scan3A_185, %select_n3A_228 : vector<16xf32>
      %eq3A_230 = arith.constant 3 : i32
      %eq3A_231 = vector.broadcast %eq3A_230 : i32 to vector<16xi32>
      %eq3A_232 = arith.cmpi eq, %get3A_205, %eq3A_231 : vector<16xi32>
      %jit3A_233 = arith.constant 1.000000e+00 : f32
      %jit3A_234 = arith.constant 0.000000e+00 : f32
      %broadcast_in_dim3A_235 = vector.broadcast %jit3A_233 : f32 to vector<16xf32>
      %broadcast_in_dim3A_236 = vector.broadcast %jit3A_234 : f32 to vector<16xf32>
      %select_n3A_237 = arith.select %eq3A_232, %broadcast_in_dim3A_235, %broadcast_in_dim3A_236 : vector<16xi1>, vector<16xf32>
      %add3A_238 = arith.addf %scan3A_186, %select_n3A_237 : vector<16xf32>
      %eq3A_239 = arith.constant 4 : i32
      %eq3A_240 = vector.broadcast %eq3A_239 : i32 to vector<16xi32>
      %eq3A_241 = arith.cmpi eq, %get3A_205, %eq3A_240 : vector<16xi32>
      %jit3A_242 = arith.constant 1.000000e+00 : f32
      %jit3A_243 = arith.constant 0.000000e+00 : f32
      %broadcast_in_dim3A_244 = vector.broadcast %jit3A_242 : f32 to vector<16xf32>
      %broadcast_in_dim3A_245 = vector.broadcast %jit3A_243 : f32 to vector<16xf32>
      %select_n3A_246 = arith.select %eq3A_241, %broadcast_in_dim3A_244, %broadcast_in_dim3A_245 : vector<16xi1>, vector<16xf32>
      %add3A_247 = arith.addf %scan3A_187, %select_n3A_246 : vector<16xf32>
      %eq3A_248 = arith.constant 5 : i32
      %eq3A_249 = vector.broadcast %eq3A_248 : i32 to vector<16xi32>
      %eq3A_250 = arith.cmpi eq, %get3A_205, %eq3A_249 : vector<16xi32>
      %jit3A_251 = arith.constant 1.000000e+00 : f32
      %jit3A_252 = arith.constant 0.000000e+00 : f32
      %broadcast_in_dim3A_253 = vector.broadcast %jit3A_251 : f32 to vector<16xf32>
      %broadcast_in_dim3A_254 = vector.broadcast %jit3A_252 : f32 to vector<16xf32>
      %select_n3A_255 = arith.select %eq3A_250, %broadcast_in_dim3A_253, %broadcast_in_dim3A_254 : vector<16xi1>, vector<16xf32>
      %add3A_256 = arith.addf %scan3A_188, %select_n3A_255 : vector<16xf32>
      %eq3A_257 = arith.constant 6 : i32
      %eq3A_258 = vector.broadcast %eq3A_257 : i32 to vector<16xi32>
      %eq3A_259 = arith.cmpi eq, %get3A_205, %eq3A_258 : vector<16xi32>
      %jit3A_260 = arith.constant 1.000000e+00 : f32
      %jit3A_261 = arith.constant 0.000000e+00 : f32
      %broadcast_in_dim3A_262 = vector.broadcast %jit3A_260 : f32 to vector<16xf32>
      %broadcast_in_dim3A_263 = vector.broadcast %jit3A_261 : f32 to vector<16xf32>
      %select_n3A_264 = arith.select %eq3A_259, %broadcast_in_dim3A_262, %broadcast_in_dim3A_263 : vector<16xi1>, vector<16xf32>
      %add3A_265 = arith.addf %scan3A_189, %select_n3A_264 : vector<16xf32>
      %eq3A_266 = arith.constant 7 : i32
      %eq3A_267 = vector.broadcast %eq3A_266 : i32 to vector<16xi32>
      %eq3A_268 = arith.cmpi eq, %get3A_205, %eq3A_267 : vector<16xi32>
      %jit3A_269 = arith.constant 1.000000e+00 : f32
      %jit3A_270 = arith.constant 0.000000e+00 : f32
      %broadcast_in_dim3A_271 = vector.broadcast %jit3A_269 : f32 to vector<16xf32>
      %broadcast_in_dim3A_272 = vector.broadcast %jit3A_270 : f32 to vector<16xf32>
      %select_n3A_273 = arith.select %eq3A_268, %broadcast_in_dim3A_271, %broadcast_in_dim3A_272 : vector<16xi1>, vector<16xf32>
      %add3A_274 = arith.addf %scan3A_190, %select_n3A_273 : vector<16xf32>
      %eq3A_275 = arith.constant 8 : i32
      %eq3A_276 = vector.broadcast %eq3A_275 : i32 to vector<16xi32>
      %eq3A_277 = arith.cmpi eq, %get3A_205, %eq3A_276 : vector<16xi32>
      %jit3A_278 = arith.constant 1.000000e+00 : f32
      %jit3A_279 = arith.constant 0.000000e+00 : f32
      %broadcast_in_dim3A_280 = vector.broadcast %jit3A_278 : f32 to vector<16xf32>
      %broadcast_in_dim3A_281 = vector.broadcast %jit3A_279 : f32 to vector<16xf32>
      %select_n3A_282 = arith.select %eq3A_277, %broadcast_in_dim3A_280, %broadcast_in_dim3A_281 : vector<16xi1>, vector<16xf32>
      %add3A_283 = arith.addf %scan3A_191, %select_n3A_282 : vector<16xf32>
      %eq3A_284 = arith.constant 9 : i32
      %eq3A_285 = vector.broadcast %eq3A_284 : i32 to vector<16xi32>
      %eq3A_286 = arith.cmpi eq, %get3A_205, %eq3A_285 : vector<16xi32>
      %jit3A_287 = arith.constant 1.000000e+00 : f32
      %jit3A_288 = arith.constant 0.000000e+00 : f32
      %broadcast_in_dim3A_289 = vector.broadcast %jit3A_287 : f32 to vector<16xf32>
      %broadcast_in_dim3A_290 = vector.broadcast %jit3A_288 : f32 to vector<16xf32>
      %select_n3A_291 = arith.select %eq3A_286, %broadcast_in_dim3A_289, %broadcast_in_dim3A_290 : vector<16xi1>, vector<16xf32>
      %add3A_292 = arith.addf %scan3A_192, %select_n3A_291 : vector<16xf32>
      %eq3A_293 = arith.constant 10 : i32
      %eq3A_294 = vector.broadcast %eq3A_293 : i32 to vector<16xi32>
      %eq3A_295 = arith.cmpi eq, %get3A_205, %eq3A_294 : vector<16xi32>
      %jit3A_296 = arith.constant 1.000000e+00 : f32
      %jit3A_297 = arith.constant 0.000000e+00 : f32
      %broadcast_in_dim3A_298 = vector.broadcast %jit3A_296 : f32 to vector<16xf32>
      %broadcast_in_dim3A_299 = vector.broadcast %jit3A_297 : f32 to vector<16xf32>
      %select_n3A_300 = arith.select %eq3A_295, %broadcast_in_dim3A_298, %broadcast_in_dim3A_299 : vector<16xi1>, vector<16xf32>
      %add3A_301 = arith.addf %scan3A_193, %select_n3A_300 : vector<16xf32>
      %eq3A_302 = arith.constant 11 : i32
      %eq3A_303 = vector.broadcast %eq3A_302 : i32 to vector<16xi32>
      %eq3A_304 = arith.cmpi eq, %get3A_205, %eq3A_303 : vector<16xi32>
      %jit3A_305 = arith.constant 1.000000e+00 : f32
      %jit3A_306 = arith.constant 0.000000e+00 : f32
      %broadcast_in_dim3A_307 = vector.broadcast %jit3A_305 : f32 to vector<16xf32>
      %broadcast_in_dim3A_308 = vector.broadcast %jit3A_306 : f32 to vector<16xf32>
      %select_n3A_309 = arith.select %eq3A_304, %broadcast_in_dim3A_307, %broadcast_in_dim3A_308 : vector<16xi1>, vector<16xf32>
      %add3A_310 = arith.addf %scan3A_194, %select_n3A_309 : vector<16xf32>
      %eq3A_311 = arith.constant 12 : i32
      %eq3A_312 = vector.broadcast %eq3A_311 : i32 to vector<16xi32>
      %eq3A_313 = arith.cmpi eq, %get3A_205, %eq3A_312 : vector<16xi32>
      %jit3A_314 = arith.constant 1.000000e+00 : f32
      %jit3A_315 = arith.constant 0.000000e+00 : f32
      %broadcast_in_dim3A_316 = vector.broadcast %jit3A_314 : f32 to vector<16xf32>
      %broadcast_in_dim3A_317 = vector.broadcast %jit3A_315 : f32 to vector<16xf32>
      %select_n3A_318 = arith.select %eq3A_313, %broadcast_in_dim3A_316, %broadcast_in_dim3A_317 : vector<16xi1>, vector<16xf32>
      %add3A_319 = arith.addf %scan3A_195, %select_n3A_318 : vector<16xf32>
      %eq3A_320 = arith.constant 13 : i32
      %eq3A_321 = vector.broadcast %eq3A_320 : i32 to vector<16xi32>
      %eq3A_322 = arith.cmpi eq, %get3A_205, %eq3A_321 : vector<16xi32>
      %jit3A_323 = arith.constant 1.000000e+00 : f32
      %jit3A_324 = arith.constant 0.000000e+00 : f32
      %broadcast_in_dim3A_325 = vector.broadcast %jit3A_323 : f32 to vector<16xf32>
      %broadcast_in_dim3A_326 = vector.broadcast %jit3A_324 : f32 to vector<16xf32>
      %select_n3A_327 = arith.select %eq3A_322, %broadcast_in_dim3A_325, %broadcast_in_dim3A_326 : vector<16xi1>, vector<16xf32>
      %add3A_328 = arith.addf %scan3A_196, %select_n3A_327 : vector<16xf32>
      %eq3A_329 = arith.constant 14 : i32
      %eq3A_330 = vector.broadcast %eq3A_329 : i32 to vector<16xi32>
      %eq3A_331 = arith.cmpi eq, %get3A_205, %eq3A_330 : vector<16xi32>
      %jit3A_332 = arith.constant 1.000000e+00 : f32
      %jit3A_333 = arith.constant 0.000000e+00 : f32
      %broadcast_in_dim3A_334 = vector.broadcast %jit3A_332 : f32 to vector<16xf32>
      %broadcast_in_dim3A_335 = vector.broadcast %jit3A_333 : f32 to vector<16xf32>
      %select_n3A_336 = arith.select %eq3A_331, %broadcast_in_dim3A_334, %broadcast_in_dim3A_335 : vector<16xi1>, vector<16xf32>
      %add3A_337 = arith.addf %scan3A_197, %select_n3A_336 : vector<16xf32>
      %eq3A_338 = arith.constant 15 : i32
      %eq3A_339 = vector.broadcast %eq3A_338 : i32 to vector<16xi32>
      %eq3A_340 = arith.cmpi eq, %get3A_205, %eq3A_339 : vector<16xi32>
      %jit3A_341 = arith.constant 1.000000e+00 : f32
      %jit3A_342 = arith.constant 0.000000e+00 : f32
      %broadcast_in_dim3A_343 = vector.broadcast %jit3A_341 : f32 to vector<16xf32>
      %broadcast_in_dim3A_344 = vector.broadcast %jit3A_342 : f32 to vector<16xf32>
      %select_n3A_345 = arith.select %eq3A_340, %broadcast_in_dim3A_343, %broadcast_in_dim3A_344 : vector<16xi1>, vector<16xf32>
      %add3A_346 = arith.addf %scan3A_198, %select_n3A_345 : vector<16xf32>
      %eq3A_347 = arith.constant 16 : i32
      %eq3A_348 = vector.broadcast %eq3A_347 : i32 to vector<16xi32>
      %eq3A_349 = arith.cmpi eq, %get3A_205, %eq3A_348 : vector<16xi32>
      %jit3A_350 = arith.constant 1.000000e+00 : f32
      %jit3A_351 = arith.constant 0.000000e+00 : f32
      %broadcast_in_dim3A_352 = vector.broadcast %jit3A_350 : f32 to vector<16xf32>
      %broadcast_in_dim3A_353 = vector.broadcast %jit3A_351 : f32 to vector<16xf32>
      %select_n3A_354 = arith.select %eq3A_349, %broadcast_in_dim3A_352, %broadcast_in_dim3A_353 : vector<16xi1>, vector<16xf32>
      %add3A_355 = arith.addf %scan3A_199, %select_n3A_354 : vector<16xf32>
      %eq3A_356 = arith.constant 17 : i32
      %eq3A_357 = vector.broadcast %eq3A_356 : i32 to vector<16xi32>
      %eq3A_358 = arith.cmpi eq, %get3A_205, %eq3A_357 : vector<16xi32>
      %jit3A_359 = arith.constant 1.000000e+00 : f32
      %jit3A_360 = arith.constant 0.000000e+00 : f32
      %broadcast_in_dim3A_361 = vector.broadcast %jit3A_359 : f32 to vector<16xf32>
      %broadcast_in_dim3A_362 = vector.broadcast %jit3A_360 : f32 to vector<16xf32>
      %select_n3A_363 = arith.select %eq3A_358, %broadcast_in_dim3A_361, %broadcast_in_dim3A_362 : vector<16xi1>, vector<16xf32>
      %add3A_364 = arith.addf %scan3A_200, %select_n3A_363 : vector<16xf32>
      %eq3A_365 = arith.constant 18 : i32
      %eq3A_366 = vector.broadcast %eq3A_365 : i32 to vector<16xi32>
      %eq3A_367 = arith.cmpi eq, %get3A_205, %eq3A_366 : vector<16xi32>
      %jit3A_368 = arith.constant 1.000000e+00 : f32
      %jit3A_369 = arith.constant 0.000000e+00 : f32
      %broadcast_in_dim3A_370 = vector.broadcast %jit3A_368 : f32 to vector<16xf32>
      %broadcast_in_dim3A_371 = vector.broadcast %jit3A_369 : f32 to vector<16xf32>
      %select_n3A_372 = arith.select %eq3A_367, %broadcast_in_dim3A_370, %broadcast_in_dim3A_371 : vector<16xi1>, vector<16xf32>
      %add3A_373 = arith.addf %scan3A_201, %select_n3A_372 : vector<16xf32>
      scf.yield %add3A_211, %add3A_220, %add3A_229, %add3A_238, %add3A_247, %add3A_256, %add3A_265, %add3A_274, %add3A_283, %add3A_292, %add3A_301, %add3A_310, %add3A_319, %add3A_328, %add3A_337, %add3A_346, %add3A_355, %add3A_364, %add3A_373 : vector<16xf32>, vector<16xf32>, vector<16xf32>, vector<16xf32>, vector<16xf32>, vector<16xf32>, vector<16xf32>, vector<16xf32>, vector<16xf32>, vector<16xf32>, vector<16xf32>, vector<16xf32>, vector<16xf32>, vector<16xf32>, vector<16xf32>, vector<16xf32>, vector<16xf32>, vector<16xf32>, vector<16xf32>
    }
    %scan3A_52 = arith.constant 4096 : i32
    %swap3A = arith.constant 0 : i32
    %swap3A_53 = arith.index_cast %swap3A : i32 to index
    %swap3A_54 = arith.constant 0 : index
    %swap3A_55 = tpu.vector_load %arg5[%swap3A_53, %swap3A_54] {strides = array<i32>} : memref<19x16xf32, #tpu.memory_space<vmem>>, vector<1x16xf32>,
    %swap3A_56 = vector.shape_cast %swap3A_55 : vector<1x16xf32> to vector<16xf32>
    %swap3A_57 = vector.shape_cast %scan3A_51#0 : vector<16xf32> to vector<1x16xf32>
    tpu.vector_store %arg5[%swap3A_53, %swap3A_54], %swap3A_57 {strides = array<i32>} : memref<19x16xf32, #tpu.memory_space<vmem>>, vector<1x16xf32>,
    %swap3A_58 = arith.constant 1 : i32
    %swap3A_59 = arith.index_cast %swap3A_58 : i32 to index
    %swap3A_60 = arith.constant 0 : index
    %swap3A_61 = tpu.vector_load %arg5[%swap3A_59, %swap3A_60] {strides = array<i32>} : memref<19x16xf32, #tpu.memory_space<vmem>>, vector<1x16xf32>,
    %swap3A_62 = vector.shape_cast %swap3A_61 : vector<1x16xf32> to vector<16xf32>
    %swap3A_63 = vector.shape_cast %scan3A_51#1 : vector<16xf32> to vector<1x16xf32>
    tpu.vector_store %arg5[%swap3A_59, %swap3A_60], %swap3A_63 {strides = array<i32>} : memref<19x16xf32, #tpu.memory_space<vmem>>, vector<1x16xf32>,
    %swap3A_64 = arith.constant 2 : i32
    %swap3A_65 = arith.index_cast %swap3A_64 : i32 to index
    %swap3A_66 = arith.constant 0 : index
    %swap3A_67 = tpu.vector_load %arg5[%swap3A_65, %swap3A_66] {strides = array<i32>} : memref<19x16xf32, #tpu.memory_space<vmem>>, vector<1x16xf32>,
    %swap3A_68 = vector.shape_cast %swap3A_67 : vector<1x16xf32> to vector<16xf32>
    %swap3A_69 = vector.shape_cast %scan3A_51#2 : vector<16xf32> to vector<1x16xf32>
    tpu.vector_store %arg5[%swap3A_65, %swap3A_66], %swap3A_69 {strides = array<i32>} : memref<19x16xf32, #tpu.memory_space<vmem>>, vector<1x16xf32>,
    %swap3A_70 = arith.constant 3 : i32
    %swap3A_71 = arith.index_cast %swap3A_70 : i32 to index
    %swap3A_72 = arith.constant 0 : index
    %swap3A_73 = tpu.vector_load %arg5[%swap3A_71, %swap3A_72] {strides = array<i32>} : memref<19x16xf32, #tpu.memory_space<vmem>>, vector<1x16xf32>,
    %swap3A_74 = vector.shape_cast %swap3A_73 : vector<1x16xf32> to vector<16xf32>
    %swap3A_75 = vector.shape_cast %scan3A_51#3 : vector<16xf32> to vector<1x16xf32>
    tpu.vector_store %arg5[%swap3A_71, %swap3A_72], %swap3A_75 {strides = array<i32>} : memref<19x16xf32, #tpu.memory_space<vmem>>, vector<1x16xf32>,
    %swap3A_76 = arith.constant 4 : i32
    %swap3A_77 = arith.index_cast %swap3A_76 : i32 to index
    %swap3A_78 = arith.constant 0 : index
    %swap3A_79 = tpu.vector_load %arg5[%swap3A_77, %swap3A_78] {strides = array<i32>} : memref<19x16xf32, #tpu.memory_space<vmem>>, vector<1x16xf32>,
    %swap3A_80 = vector.shape_cast %swap3A_79 : vector<1x16xf32> to vector<16xf32>
    %swap3A_81 = vector.shape_cast %scan3A_51#4 : vector<16xf32> to vector<1x16xf32>
    tpu.vector_store %arg5[%swap3A_77, %swap3A_78], %swap3A_81 {strides = array<i32>} : memref<19x16xf32, #tpu.memory_space<vmem>>, vector<1x16xf32>,
    %swap3A_82 = arith.constant 5 : i32
    %swap3A_83 = arith.index_cast %swap3A_82 : i32 to index
    %swap3A_84 = arith.constant 0 : index
    %swap3A_85 = tpu.vector_load %arg5[%swap3A_83, %swap3A_84] {strides = array<i32>} : memref<19x16xf32, #tpu.memory_space<vmem>>, vector<1x16xf32>,
    %swap3A_86 = vector.shape_cast %swap3A_85 : vector<1x16xf32> to vector<16xf32>
    %swap3A_87 = vector.shape_cast %scan3A_51#5 : vector<16xf32> to vector<1x16xf32>
    tpu.vector_store %arg5[%swap3A_83, %swap3A_84], %swap3A_87 {strides = array<i32>} : memref<19x16xf32, #tpu.memory_space<vmem>>, vector<1x16xf32>,
    %swap3A_88 = arith.constant 6 : i32
    %swap3A_89 = arith.index_cast %swap3A_88 : i32 to index
    %swap3A_90 = arith.constant 0 : index
    %swap3A_91 = tpu.vector_load %arg5[%swap3A_89, %swap3A_90] {strides = array<i32>} : memref<19x16xf32, #tpu.memory_space<vmem>>, vector<1x16xf32>,
    %swap3A_92 = vector.shape_cast %swap3A_91 : vector<1x16xf32> to vector<16xf32>
    %swap3A_93 = vector.shape_cast %scan3A_51#6 : vector<16xf32> to vector<1x16xf32>
    tpu.vector_store %arg5[%swap3A_89, %swap3A_90], %swap3A_93 {strides = array<i32>} : memref<19x16xf32, #tpu.memory_space<vmem>>, vector<1x16xf32>,
    %swap3A_94 = arith.constant 7 : i32
    %swap3A_95 = arith.index_cast %swap3A_94 : i32 to index
    %swap3A_96 = arith.constant 0 : index
    %swap3A_97 = tpu.vector_load %arg5[%swap3A_95, %swap3A_96] {strides = array<i32>} : memref<19x16xf32, #tpu.memory_space<vmem>>, vector<1x16xf32>,
    %swap3A_98 = vector.shape_cast %swap3A_97 : vector<1x16xf32> to vector<16xf32>
    %swap3A_99 = vector.shape_cast %scan3A_51#7 : vector<16xf32> to vector<1x16xf32>
    tpu.vector_store %arg5[%swap3A_95, %swap3A_96], %swap3A_99 {strides = array<i32>} : memref<19x16xf32, #tpu.memory_space<vmem>>, vector<1x16xf32>,
    %swap3A_100 = arith.constant 8 : i32
    %swap3A_101 = arith.index_cast %swap3A_100 : i32 to index
    %swap3A_102 = arith.constant 0 : index
    %swap3A_103 = tpu.vector_load %arg5[%swap3A_101, %swap3A_102] {strides = array<i32>} : memref<19x16xf32, #tpu.memory_space<vmem>>, vector<1x16xf32>,
    %swap3A_104 = vector.shape_cast %swap3A_103 : vector<1x16xf32> to vector<16xf32>
    %swap3A_105 = vector.shape_cast %scan3A_51#8 : vector<16xf32> to vector<1x16xf32>
    tpu.vector_store %arg5[%swap3A_101, %swap3A_102], %swap3A_105 {strides = array<i32>} : memref<19x16xf32, #tpu.memory_space<vmem>>, vector<1x16xf32>,
    %swap3A_106 = arith.constant 9 : i32
    %swap3A_107 = arith.index_cast %swap3A_106 : i32 to index
    %swap3A_108 = arith.constant 0 : index
    %swap3A_109 = tpu.vector_load %arg5[%swap3A_107, %swap3A_108] {strides = array<i32>} : memref<19x16xf32, #tpu.memory_space<vmem>>, vector<1x16xf32>,
    %swap3A_110 = vector.shape_cast %swap3A_109 : vector<1x16xf32> to vector<16xf32>
    %swap3A_111 = vector.shape_cast %scan3A_51#9 : vector<16xf32> to vector<1x16xf32>
    tpu.vector_store %arg5[%swap3A_107, %swap3A_108], %swap3A_111 {strides = array<i32>} : memref<19x16xf32, #tpu.memory_space<vmem>>, vector<1x16xf32>,
    %swap3A_112 = arith.constant 10 : i32
    %swap3A_113 = arith.index_cast %swap3A_112 : i32 to index
    %swap3A_114 = arith.constant 0 : index
    %swap3A_115 = tpu.vector_load %arg5[%swap3A_113, %swap3A_114] {strides = array<i32>} : memref<19x16xf32, #tpu.memory_space<vmem>>, vector<1x16xf32>,
    %swap3A_116 = vector.shape_cast %swap3A_115 : vector<1x16xf32> to vector<16xf32>
    %swap3A_117 = vector.shape_cast %scan3A_51#10 : vector<16xf32> to vector<1x16xf32>
    tpu.vector_store %arg5[%swap3A_113, %swap3A_114], %swap3A_117 {strides = array<i32>} : memref<19x16xf32, #tpu.memory_space<vmem>>, vector<1x16xf32>,
    %swap3A_118 = arith.constant 11 : i32
    %swap3A_119 = arith.index_cast %swap3A_118 : i32 to index
    %swap3A_120 = arith.constant 0 : index
    %swap3A_121 = tpu.vector_load %arg5[%swap3A_119, %swap3A_120] {strides = array<i32>} : memref<19x16xf32, #tpu.memory_space<vmem>>, vector<1x16xf32>,
    %swap3A_122 = vector.shape_cast %swap3A_121 : vector<1x16xf32> to vector<16xf32>
    %swap3A_123 = vector.shape_cast %scan3A_51#11 : vector<16xf32> to vector<1x16xf32>
    tpu.vector_store %arg5[%swap3A_119, %swap3A_120], %swap3A_123 {strides = array<i32>} : memref<19x16xf32, #tpu.memory_space<vmem>>, vector<1x16xf32>,
    %swap3A_124 = arith.constant 12 : i32
    %swap3A_125 = arith.index_cast %swap3A_124 : i32 to index
    %swap3A_126 = arith.constant 0 : index
    %swap3A_127 = tpu.vector_load %arg5[%swap3A_125, %swap3A_126] {strides = array<i32>} : memref<19x16xf32, #tpu.memory_space<vmem>>, vector<1x16xf32>,
    %swap3A_128 = vector.shape_cast %swap3A_127 : vector<1x16xf32> to vector<16xf32>
    %swap3A_129 = vector.shape_cast %scan3A_51#12 : vector<16xf32> to vector<1x16xf32>
    tpu.vector_store %arg5[%swap3A_125, %swap3A_126], %swap3A_129 {strides = array<i32>} : memref<19x16xf32, #tpu.memory_space<vmem>>, vector<1x16xf32>,
    %swap3A_130 = arith.constant 13 : i32
    %swap3A_131 = arith.index_cast %swap3A_130 : i32 to index
    %swap3A_132 = arith.constant 0 : index
    %swap3A_133 = tpu.vector_load %arg5[%swap3A_131, %swap3A_132] {strides = array<i32>} : memref<19x16xf32, #tpu.memory_space<vmem>>, vector<1x16xf32>,
    %swap3A_134 = vector.shape_cast %swap3A_133 : vector<1x16xf32> to vector<16xf32>
    %swap3A_135 = vector.shape_cast %scan3A_51#13 : vector<16xf32> to vector<1x16xf32>
    tpu.vector_store %arg5[%swap3A_131, %swap3A_132], %swap3A_135 {strides = array<i32>} : memref<19x16xf32, #tpu.memory_space<vmem>>, vector<1x16xf32>,
    %swap3A_136 = arith.constant 14 : i32
    %swap3A_137 = arith.index_cast %swap3A_136 : i32 to index
    %swap3A_138 = arith.constant 0 : index
    %swap3A_139 = tpu.vector_load %arg5[%swap3A_137, %swap3A_138] {strides = array<i32>} : memref<19x16xf32, #tpu.memory_space<vmem>>, vector<1x16xf32>,
    %swap3A_140 = vector.shape_cast %swap3A_139 : vector<1x16xf32> to vector<16xf32>
    %swap3A_141 = vector.shape_cast %scan3A_51#14 : vector<16xf32> to vector<1x16xf32>
    tpu.vector_store %arg5[%swap3A_137, %swap3A_138], %swap3A_141 {strides = array<i32>} : memref<19x16xf32, #tpu.memory_space<vmem>>, vector<1x16xf32>,
    %swap3A_142 = arith.constant 15 : i32
    %swap3A_143 = arith.index_cast %swap3A_142 : i32 to index
    %swap3A_144 = arith.constant 0 : index
    %swap3A_145 = tpu.vector_load %arg5[%swap3A_143, %swap3A_144] {strides = array<i32>} : memref<19x16xf32, #tpu.memory_space<vmem>>, vector<1x16xf32>,
    %swap3A_146 = vector.shape_cast %swap3A_145 : vector<1x16xf32> to vector<16xf32>
    %swap3A_147 = vector.shape_cast %scan3A_51#15 : vector<16xf32> to vector<1x16xf32>
    tpu.vector_store %arg5[%swap3A_143, %swap3A_144], %swap3A_147 {strides = array<i32>} : memref<19x16xf32, #tpu.memory_space<vmem>>, vector<1x16xf32>,
    %swap3A_148 = arith.constant 16 : i32
    %swap3A_149 = arith.index_cast %swap3A_148 : i32 to index
    %swap3A_150 = arith.constant 0 : index
    %swap3A_151 = tpu.vector_load %arg5[%swap3A_149, %swap3A_150] {strides = array<i32>} : memref<19x16xf32, #tpu.memory_space<vmem>>, vector<1x16xf32>,
    %swap3A_152 = vector.shape_cast %swap3A_151 : vector<1x16xf32> to vector<16xf32>
    %swap3A_153 = vector.shape_cast %scan3A_51#16 : vector<16xf32> to vector<1x16xf32>
    tpu.vector_store %arg5[%swap3A_149, %swap3A_150], %swap3A_153 {strides = array<i32>} : memref<19x16xf32, #tpu.memory_space<vmem>>, vector<1x16xf32>,
    %swap3A_154 = arith.constant 17 : i32
    %swap3A_155 = arith.index_cast %swap3A_154 : i32 to index
    %swap3A_156 = arith.constant 0 : index
    %swap3A_157 = tpu.vector_load %arg5[%swap3A_155, %swap3A_156] {strides = array<i32>} : memref<19x16xf32, #tpu.memory_space<vmem>>, vector<1x16xf32>,
    %swap3A_158 = vector.shape_cast %swap3A_157 : vector<1x16xf32> to vector<16xf32>
    %swap3A_159 = vector.shape_cast %scan3A_51#17 : vector<16xf32> to vector<1x16xf32>
    tpu.vector_store %arg5[%swap3A_155, %swap3A_156], %swap3A_159 {strides = array<i32>} : memref<19x16xf32, #tpu.memory_space<vmem>>, vector<1x16xf32>,
    %swap3A_160 = arith.constant 18 : i32
    %swap3A_161 = arith.index_cast %swap3A_160 : i32 to index
    %swap3A_162 = arith.constant 0 : index
    %swap3A_163 = tpu.vector_load %arg5[%swap3A_161, %swap3A_162] {strides = array<i32>} : memref<19x16xf32, #tpu.memory_space<vmem>>, vector<1x16xf32>,
    %swap3A_164 = vector.shape_cast %swap3A_163 : vector<1x16xf32> to vector<16xf32>
    %swap3A_165 = vector.shape_cast %scan3A_51#18 : vector<16xf32> to vector<1x16xf32>
    tpu.vector_store %arg5[%swap3A_161, %swap3A_162], %swap3A_165 {strides = array<i32>} : memref<19x16xf32, #tpu.memory_space<vmem>>, vector<1x16xf32>,
    %dma_start3A_166 = arith.constant 0 : i32
    %dma_start3A_167 = arith.constant 0 : i32
    %dma_start3A_168 = tpu.memref_slice %arg3[%add3A, %dma_start3A_166, %dma_start3A_167] : memref<32x19x16xf32, #tpu.memory_space<hbm>> -> memref<1x19x16xf32, #tpu.memory_space<hbm>>
    %dma_start3A_169 = tpu.memref_squeeze %dma_start3A_168 : memref<1x19x16xf32, #tpu.memory_space<hbm>> -> memref<19x16xf32, #tpu.memory_space<hbm>>
    %dma_start3A_170 = arith.constant 0 : i32
    %dma_start3A_171 = arith.constant 0 : i32
    %dma_start3A_172 = tpu.memref_slice %arg3[%add3A, %dma_start3A_170, %dma_start3A_171] : memref<32x19x16xf32, #tpu.memory_space<hbm>> -> memref<1x19x16xf32, #tpu.memory_space<hbm>>
    %dma_start3A_173 = tpu.memref_squeeze %dma_start3A_172 : memref<1x19x16xf32, #tpu.memory_space<hbm>> -> memref<19x16xf32, #tpu.memory_space<hbm>>
    tpu.enqueue_dma source(%arg5 : memref<19x16xf32, #tpu.memory_space<vmem>>) target(%dma_start3A_173 : memref<19x16xf32, #tpu.memory_space<hbm>>) target_semaphore(%arg6 : memref<!tpu.dma_semaphore, #tpu.memory_space<semaphore_mem>>)
    %dma_wait3A_174 = arith.constant 0 : i32
    %dma_wait3A_175 = arith.constant 0 : i32
    %dma_wait3A_176 = tpu.memref_slice %arg3[%add3A, %dma_wait3A_174, %dma_wait3A_175] : memref<32x19x16xf32, #tpu.memory_space<hbm>> -> memref<1x19x16xf32, #tpu.memory_space<hbm>>
    %dma_wait3A_177 = tpu.memref_squeeze %dma_wait3A_176 : memref<1x19x16xf32, #tpu.memory_space<hbm>> -> memref<19x16xf32, #tpu.memory_space<hbm>>
    %dma_wait3A_178 = arith.constant 0 : i32
    %dma_wait3A_179 = arith.constant 0 : i32
    %dma_wait3A_180 = tpu.memref_slice %arg3[%add3A, %dma_wait3A_178, %dma_wait3A_179] : memref<32x19x16xf32, #tpu.memory_space<hbm>> -> memref<1x19x16xf32, #tpu.memory_space<hbm>>
    %dma_wait3A_181 = tpu.memref_squeeze %dma_wait3A_180 : memref<1x19x16xf32, #tpu.memory_space<hbm>> -> memref<19x16xf32, #tpu.memory_space<hbm>>
    tpu.wait_dma2 semaphore(%arg6 : memref<!tpu.dma_semaphore, #tpu.memory_space<semaphore_mem>>) src(%arg5 : memref<19x16xf32, #tpu.memory_space<vmem>>) dst(%dma_wait3A_181 : memref<19x16xf32, #tpu.memory_space<hbm>>)
    return
  }
}

module attributes {stable_mosaic.version = 14 : i64} {
  func.func @_combine_kernel(%arg0: memref<1x19xf32, #tpu.memory_space<vmem>>, %arg1: memref<32x19x16xf32, #tpu.memory_space<vmem>>, %arg2: memref<1x19xf32, #tpu.memory_space<vmem>>, %arg3: memref<1x1xf32, #tpu.memory_space<vmem>>) attributes {dimension_semantics = [], scalar_prefetch = 0 : i64, scratch_operands = 0 : i64, tpu.core_type = #tpu.core_type<tc>} {
    %get3A = arith.constant 0 : index
    %get3A_0 = arith.constant 0 : index
    %get3A_1 = vector.load %arg0[%get3A, %get3A_0] : memref<1x19xf32, #tpu.memory_space<vmem>>, vector<1x19xf32>
    %get3A_2 = arith.constant 0 : index
    %get3A_3 = arith.constant 0 : index
    %get3A_4 = arith.constant 0 : index
    %get3A_5 = vector.load %arg1[%get3A_2, %get3A_3, %get3A_4] : memref<32x19x16xf32, #tpu.memory_space<vmem>>, vector<32x19x16xf32>
    %reduce_sum3A = arith.constant dense<0.000000e+00> : vector<19xf32>
    %reduce_sum3A_6 = vector.multi_reduction <add>, %get3A_5, %reduce_sum3A [0, 2] : vector<32x19x16xf32> to vector<19xf32>
    %broadcast_in_dim3A = vector.shape_cast %reduce_sum3A_6 : vector<19xf32> to vector<1x19xf32>
    %get3A_7 = arith.constant 0 : index
    %get3A_8 = arith.constant 0 : index
    %get3A_9 = vector.load %arg2[%get3A_7, %get3A_8] : memref<1x19xf32, #tpu.memory_space<vmem>>, vector<1x19xf32>
    %iota3A = tpu.iota {dimensions = array<i32: 1>} : vector<1x19xi32>
    %gt3A = arith.constant 0.000000e+00 : f32
    %gt3A_10 = vector.broadcast %gt3A : f32 to vector<1x19xf32>
    %gt3A_11 = arith.cmpf ogt, %broadcast_in_dim3A, %gt3A_10 : vector<1x19xf32>
    %jit3A = arith.constant 19 : i32
    %broadcast_in_dim3A_12 = vector.broadcast %jit3A : i32 to vector<1x19xi32>
    %select_n3A = arith.select %gt3A_11, %iota3A, %broadcast_in_dim3A_12 : vector<1x19xi1>, vector<1x19xi32>
    %reduce_min3A = vector.shape_cast %select_n3A : vector<1x19xi32> to vector<1x1x19xi32>
    %reduce_min3A_13 = arith.constant dense<2147483647> : vector<1xi32>
    %reduce_min3A_14 = vector.multi_reduction <minsi>, %reduce_min3A, %reduce_min3A_13 [1, 2] : vector<1x1x19xi32> to vector<1xi32>
    %reduce_min3A_15 = vector.shape_cast %reduce_min3A_14 : vector<1xi32> to vector<1x1x1xi32>
    %reduce_min3A_16 = vector.extract %reduce_min3A_15[0, 0, 0] : i32 from vector<1x1x1xi32>
    %ne3A = vector.broadcast %reduce_min3A_16 : i32 to vector<1x19xi32>
    %ne3A_17 = arith.cmpi ne, %iota3A, %ne3A : vector<1x19xi32>
    %and3A = arith.andi %gt3A_11, %ne3A_17 : vector<1x19xi1>
    %gt3A_18 = arith.constant 0.000000e+00 : f32
    %gt3A_19 = vector.broadcast %gt3A_18 : f32 to vector<1x19xf32>
    %gt3A_20 = arith.cmpf ogt, %get3A_9, %gt3A_19 : vector<1x19xf32>
    %and3A_21 = arith.andi %and3A, %gt3A_20 : vector<1x19xi1>
    %sub3A = arith.subf %broadcast_in_dim3A, %get3A_1 : vector<1x19xf32>
    %max3A = arith.constant 1.000000e+00 : f32
    %max3A_22 = vector.broadcast %max3A : f32 to vector<1x19xf32>
    %max3A_23 = arith.maximumf %broadcast_in_dim3A, %max3A_22 : vector<1x19xf32>
    %div3A = arith.divf %sub3A, %max3A_23 : vector<1x19xf32>
    %jit3A_24 = arith.constant 0.000000e+00 : f32
    %broadcast_in_dim3A_25 = vector.broadcast %jit3A_24 : f32 to vector<1x19xf32>
    %select_n3A_26 = arith.select %and3A_21, %div3A, %broadcast_in_dim3A_25 : vector<1x19xi1>, vector<1x19xf32>
    %reduce_sum3A_27 = vector.shape_cast %select_n3A_26 : vector<1x19xf32> to vector<1x1x19xf32>
    %reduce_sum3A_28 = arith.constant dense<0.000000e+00> : vector<1xf32>
    %reduce_sum3A_29 = vector.multi_reduction <add>, %reduce_sum3A_27, %reduce_sum3A_28 [1, 2] : vector<1x1x19xf32> to vector<1xf32>
    %reduce_sum3A_30 = vector.shape_cast %reduce_sum3A_29 : vector<1xf32> to vector<1x1x1xf32>
    %reduce_sum3A_31 = vector.extract %reduce_sum3A_30[0, 0, 0] : f32 from vector<1x1x1xf32>
    %broadcast_in_dim3A_32 = vector.broadcast %reduce_sum3A_31 : f32 to vector<1x1xf32>
    %swap3A = arith.constant 0 : index
    %swap3A_33 = arith.constant 0 : index
    %swap3A_34 = vector.load %arg3[%swap3A, %swap3A_33] : memref<1x1xf32, #tpu.memory_space<vmem>>, vector<1x1xf32>
    tpu.vector_store %arg3[%swap3A, %swap3A_33], %broadcast_in_dim3A_32 {strides = array<i32>} : memref<1x1xf32, #tpu.memory_space<vmem>>, vector<1x1xf32>,
    return
  }
}

module attributes {stable_mosaic.version = 14 : i64} {
  func.func @_owloss_tc_kernel(%arg0: i32, %arg1: memref<1x1x65536xi32, #tpu.memory_space<vmem>>, %arg2: memref<19x65536xbf16, #tpu.memory_space<vmem>>, %arg3: memref<19x19xf32, #tpu.memory_space<vmem>>, %arg4: memref<1x19xf32, #tpu.memory_space<vmem>>, %arg5: memref<19x19xbf16, #tpu.memory_space<vmem>>, %arg6: memref<1x19xf32, #tpu.memory_space<vmem>>) attributes {dimension_semantics = [#tpu.dimension_semantics<arbitrary>], iteration_bounds = array<i64: 32>, scalar_prefetch = 0 : i64, scratch_operands = 2 : i64, tpu.core_type = #tpu.core_type<tc>, window_params = [{transform_indices = @transform_0, window_bounds = array<i64: 1, 1, 65536>}, {transform_indices = @transform_1, window_bounds = array<i64: 19, 65536>}, {pipeline_mode = #tpu.pipeline_mode<synchronous>, transform_indices = @transform_2, window_bounds = array<i64: 19, 19>}, {pipeline_mode = #tpu.pipeline_mode<synchronous>, transform_indices = @transform_3, window_bounds = array<i64: 1, 19>}]} {
    %eq3A = arith.constant 0 : i32
    %eq3A_0 = arith.cmpi eq, %arg0, %eq3A : i32
    %convert_element_type3A = arith.extui %eq3A_0 : i1 to i32
    %cond3A = arith.constant 0 : i32
    %cond3A_1 = arith.cmpi ne, %convert_element_type3A, %cond3A : i32
    scf.if %cond3A_1 {
      %broadcast_in_dim3A_41 = arith.constant 0.000000e+00 : f32
      %broadcast_in_dim3A_42 = vector.broadcast %broadcast_in_dim3A_41 : f32 to vector<1x19xf32>
      %swap3A_43 = arith.constant 0 : index
      %swap3A_44 = arith.constant 0 : index
      %swap3A_45 = vector.load %arg6[%swap3A_43, %swap3A_44] : memref<1x19xf32, #tpu.memory_space<vmem>>, vector<1x19xf32>
      tpu.vector_store %arg6[%swap3A_43, %swap3A_44], %broadcast_in_dim3A_42 {strides = array<i32>} : memref<1x19xf32, #tpu.memory_space<vmem>>, vector<1x19xf32>,
      %get3A_46 = arith.constant 0 : index
      %get3A_47 = arith.constant 0 : index
      %get3A_48 = vector.load %arg3[%get3A_46, %get3A_47] : memref<19x19xf32, #tpu.memory_space<vmem>>, vector<19x19xf32>
      %mul3A_49 = arith.mulf %get3A_48, %get3A_48 : vector<19x19xf32>
      %reduce_sum3A_50 = arith.constant dense<0.000000e+00> : vector<19xf32>
      %reduce_sum3A_51 = vector.multi_reduction <add>, %mul3A_49, %reduce_sum3A_50 [1] : vector<19x19xf32> to vector<19xf32>
      %broadcast_in_dim3A_52 = vector.shape_cast %reduce_sum3A_51 : vector<19xf32> to vector<19x1xf32>
      %max3A_53 = arith.constant 1.000000e-30 : f32
      %max3A_54 = vector.broadcast %max3A_53 : f32 to vector<19x1xf32>
      %max3A_55 = arith.maximumf %broadcast_in_dim3A_52, %max3A_54 : vector<19x1xf32>
      %rsqrt3A_56 = math.rsqrt %max3A_55 : vector<19x1xf32>
      %mul3A_57 = vector.broadcast %rsqrt3A_56 : vector<19x1xf32> to vector<19x19xf32>
      %mul3A_58 = arith.mulf %get3A_48, %mul3A_57 : vector<19x19xf32>
      %convert_element_type3A_59 = arith.truncf %mul3A_58 : vector<19x19xf32> to vector<19x19xbf16>
      %swap3A_60 = arith.constant 0 : index
      %swap3A_61 = arith.constant 0 : index
      %swap3A_62 = vector.load %arg5[%swap3A_60, %swap3A_61] : memref<19x19xbf16, #tpu.memory_space<vmem>>, vector<19x19xbf16>
      tpu.vector_store %arg5[%swap3A_60, %swap3A_61], %convert_element_type3A_59 {strides = array<i32>} : memref<19x19xbf16, #tpu.memory_space<vmem>>, vector<19x19xbf16>,
    } else {
    }
    %get3A = arith.constant 0 : index
    %get3A_2 = arith.constant 0 : index
    %get3A_3 = vector.load %arg2[%get3A, %get3A_2] : memref<19x65536xbf16, #tpu.memory_space<vmem>>, vector<19x65536xbf16>
    %get3A_4 = arith.constant 0 : index
    %get3A_5 = arith.constant 0 : index
    %get3A_6 = arith.constant 0 : index
    %get3A_7 = vector.load %arg1[%get3A_4, %get3A_5, %get3A_6] : memref<1x1x65536xi32, #tpu.memory_space<vmem>>, vector<1x1x65536xi32>
    %get3A_8 = vector.shape_cast %get3A_7 : vector<1x1x65536xi32> to vector<1x65536xi32>
    %get3A_9 = arith.constant 0 : index
    %get3A_10 = arith.constant 0 : index
    %get3A_11 = vector.load %arg5[%get3A_9, %get3A_10] : memref<19x19xbf16, #tpu.memory_space<vmem>>, vector<19x19xbf16>
    %dot_general3A = arith.constant dense<0.000000e+00> : vector<19x65536xf32>
    %dot_general3A_12 = tpu.matmul %get3A_11, %get3A_3, %dot_general3A {dimension_numbers = #tpu.dot_dimension_numbers<[1], [0], [0], [1], [0, 0, 1, 1], [], []>, transpose_lhs_hint = false} : vector<19x19xbf16>, vector<19x65536xbf16>, vector<19x65536xf32> -> vector<19x65536xf32>
    %broadcast_in_dim3A = arith.constant 1.000000e+00 : bf16
    %broadcast_in_dim3A_13 = vector.broadcast %broadcast_in_dim3A : bf16 to vector<1x19xbf16>
    %mul3A = arith.mulf %get3A_3, %get3A_3 : vector<19x65536xbf16>
    %dot_general3A_14 = arith.constant dense<0.000000e+00> : vector<1x65536xf32>
    %dot_general3A_15 = tpu.matmul %broadcast_in_dim3A_13, %mul3A, %dot_general3A_14 {dimension_numbers = #tpu.dot_dimension_numbers<[1], [0], [0], [1], [0, 0, 1, 1], [], []>, transpose_lhs_hint = false} : vector<1x19xbf16>, vector<19x65536xbf16>, vector<1x65536xf32> -> vector<1x65536xf32>
    %max3A = arith.constant 1.000000e-30 : f32
    %max3A_16 = vector.broadcast %max3A : f32 to vector<1x65536xf32>
    %max3A_17 = arith.maximumf %dot_general3A_15, %max3A_16 : vector<1x65536xf32>
    %rsqrt3A = math.rsqrt %max3A_17 : vector<1x65536xf32>
    %iota3A = tpu.iota {dimensions = array<i32: 0>} : vector<19x1xi32>
    %eq3A_18 = vector.broadcast %iota3A : vector<19x1xi32> to vector<19x65536xi32>
    %eq3A_19 = vector.broadcast %get3A_8 : vector<1x65536xi32> to vector<19x65536xi32>
    %eq3A_20 = arith.cmpi eq, %eq3A_18, %eq3A_19 : vector<19x65536xi32>
    %jit3A = arith.constant 0.000000e+00 : f32
    %broadcast_in_dim3A_21 = vector.broadcast %jit3A : f32 to vector<19x65536xf32>
    %select_n3A = arith.select %eq3A_20, %dot_general3A_12, %broadcast_in_dim3A_21 : vector<19x65536xi1>, vector<19x65536xf32>
    %reduce_sum3A = arith.constant dense<0.000000e+00> : vector<65536xf32>
    %reduce_sum3A_22 = vector.multi_reduction <add>, %select_n3A, %reduce_sum3A [0] : vector<19x65536xf32> to vector<65536xf32>
    %broadcast_in_dim3A_23 = vector.shape_cast %reduce_sum3A_22 : vector<65536xf32> to vector<1x65536xf32>
    %mul3A_24 = arith.mulf %broadcast_in_dim3A_23, %rsqrt3A : vector<1x65536xf32>
    %convert_element_type3A_25 = arith.truncf %mul3A_24 : vector<1x65536xf32> to vector<1x65536xbf16>
    %convert_element_type3A_26 = arith.extui %eq3A_20 : vector<19x65536xi1> to vector<19x65536xi32>
    %convert_element_type3A_27 = arith.sitofp %convert_element_type3A_26 : vector<19x65536xi32> to vector<19x65536xf32>
    %convert_element_type3A_28 = arith.truncf %convert_element_type3A_27 : vector<19x65536xf32> to vector<19x65536xbf16>
    %dot_general3A_29 = arith.constant dense<0.000000e+00> : vector<1x19xf32>
    %dot_general3A_30 = tpu.matmul %convert_element_type3A_25, %convert_element_type3A_28, %dot_general3A_29 {dimension_numbers = #tpu.dot_dimension_numbers<[1], [1], [0], [0], [0, 0, 1, 0], [], []>, transpose_lhs_hint = false} : vector<1x65536xbf16>, vector<19x65536xbf16>, vector<1x19xf32> -> vector<1x19xf32>
    %get3A_31 = arith.constant 0 : index
    %get3A_32 = arith.constant 0 : index
    %get3A_33 = vector.load %arg6[%get3A_31, %get3A_32] : memref<1x19xf32, #tpu.memory_space<vmem>>, vector<1x19xf32>
    %add3A = arith.addf %get3A_33, %dot_general3A_30 : vector<1x19xf32>
    %swap3A = arith.constant 0 : index
    %swap3A_34 = arith.constant 0 : index
    %swap3A_35 = vector.load %arg6[%swap3A, %swap3A_34] : memref<1x19xf32, #tpu.memory_space<vmem>>, vector<1x19xf32>
    tpu.vector_store %arg6[%swap3A, %swap3A_34], %add3A {strides = array<i32>} : memref<1x19xf32, #tpu.memory_space<vmem>>, vector<1x19xf32>,
    %eq3A_36 = arith.constant 31 : i32
    %eq3A_37 = arith.cmpi eq, %arg0, %eq3A_36 : i32
    %convert_element_type3A_38 = arith.extui %eq3A_37 : i1 to i32
    %cond3A_39 = arith.constant 0 : i32
    %cond3A_40 = arith.cmpi ne, %convert_element_type3A_38, %cond3A_39 : i32
    scf.if %cond3A_40 {
      %get3A_41 = arith.constant 0 : index
      %get3A_42 = arith.constant 0 : index
      %get3A_43 = vector.load %arg6[%get3A_41, %get3A_42] : memref<1x19xf32, #tpu.memory_space<vmem>>, vector<1x19xf32>
      %swap3A_44 = arith.constant 0 : index
      %swap3A_45 = arith.constant 0 : index
      %swap3A_46 = vector.load %arg4[%swap3A_44, %swap3A_45] : memref<1x19xf32, #tpu.memory_space<vmem>>, vector<1x19xf32>
      tpu.vector_store %arg4[%swap3A_44, %swap3A_45], %get3A_43 {strides = array<i32>} : memref<1x19xf32, #tpu.memory_space<vmem>>, vector<1x19xf32>,
    } else {
    }
    return
  }
  func.func @transform_0(%arg0: i32) -> (i32, i32, i32) {
    %c0_i32 = arith.constant 0 : i32
    %c0_i32_0 = arith.constant 0 : i32
    %c0_i32_1 = arith.constant 0 : i32
    return %arg0, %c0_i32, %c0_i32_0 : i32, i32, i32
  }
  func.func @transform_1(%arg0: i32) -> (i32, i32) {
    %c0_i32 = arith.constant 0 : i32
    %c0_i32_0 = arith.constant 0 : i32
    return %c0_i32, %arg0 : i32, i32
  }
  func.func @transform_2(%arg0: i32) -> (i32, i32) {
    %c0_i32 = arith.constant 0 : i32
    %c0_i32_0 = arith.constant 0 : i32
    %c0_i32_1 = arith.constant 0 : i32
    return %c0_i32, %c0_i32_0 : i32, i32
  }
  func.func @transform_3(%arg0: i32) -> (i32, i32) {
    %c0_i32 = arith.constant 0 : i32
    %c0_i32_0 = arith.constant 0 : i32
    %c0_i32_1 = arith.constant 0 : i32
    return %c0_i32, %c0_i32_0 : i32, i32
  }
}

</mosaic_0001>

<sc_bundles>
// kernel: kernel.5.cloned.1.call-start
scs
__scs_entry_jumppad:
0x0: {  	(pc) =	sbr.rel $0x88, $3  }
0x1: {  	(tag) =	ssettag $0x0;
	lr =	simm.s32 $0x1  }
0x2: {  	[smem:$0x3F9D] =	sst lr;
	_ =	strace $0xD0000000  }
0x3: {  	_ = 	snop  }
0x4: {  	_ = 	snop  }
0x5: {  	_ = 	snop  }
0x6: {  	_ = 	snop  }
0x7: {  	_ = 	snop  }
__scs_overlays_trampoline_lowered:
0x8: {  	[smem:$0x3FAC] =	sst s0  }
0x9: {  	[smem:$0x3FAD] =	sst s1  }
0xa: {  	[smem:$0x3FAE] =	sst s2  }
0xb: {  	[smem:$0x3FAF] =	sst s3  }
0xc: {  	[smem:$0x3FB0] =	sst s4  }
0xd: {  	[smem:$0x3FB1] =	sst s5  }
0xe: {  	[smem:$0x3FB2] =	sst s6  }
0xf: {  	[smem:$0x3FB3] =	sst s7  }
0x10: {  	[smem:$0x3FB4] =	sst s8  }
0x11: {  	[smem:$0x3FB5] =	sst s9;
	s0 =	simm.s32 @!p0 $0x0  }
0x12: {  	s1 =	sld [smem:$0x3F9B];
	s0 =	simm.s32 @p0 $0x1  }
0x13: {  	[smem:$0x3FB6] =	sst s0;
	s0 =	simm.s32 @!p1 $0x0  }
0x14: {  	s2 =	sld [smem:$0x3F9A];
	s0 =	simm.s32 @p1 $0x1  }
0x15: {  	[smem:$0x3FB7] =	sst s0;
	s0 =	simm.s32 @!p2 $0x0  }
0x16: {  	s3 =	sld [smem:$0x3FDB];
	s0 =	simm.s32 @p2 $0x1  }
0x17: {  	s4 =	simm.s32 $0x1BF5;
	[smem:$0x3FB9] =	sst s0  }
0x18: {  	s0 =	sld [smem:$0x3F9C];
	_ =	swait.ge [sflag:s4], $0x0  }
0x19: {  	s7 =	sld [smem:$0x3F9D]  }
0x1a: {  	s8 =	sadd.s32 $0xFFFFE003, lr  }
0x1b: {  	s9 =	sadd.s32 $0xFFFFFEF7, lr;
	s5 =	simm.s32 $0xFFFFFFFF;
	p2 =	slt.u32 s8, $0xFFFFF086  }
0x1c: {  	p1 =	slt.u32 s9, $0xF7A;
	s5 =	simm.s32 @!p2 $0x0  }
0x1d: {  	s5 =	simm.s32 @p1 $0x1;
	p0 =	seq.s32 s7, s2  }
0x1e: {  	s7 =	smul.u32 @!p0 $0xF7A, s2;
	p2 =	seq.s32 @!p0 s5, $0x0  }
0x1f: {  	s9 =	smul.u32 $0xF7A, s1;
	s8 =	simm.s32 @!p0 $0x1BF5;
	p2 =	por !p2, p0  }
0x20: {  	[sflag:s8] =	ssyncset.s32 @!p0 $0xFFFFF086;
	s6 =	sadd.s32 @!p0 s3, s7;
	s7 =	simm.s32 @!p0 $0x108  }
0x21: {  	s3 =	sadd.s32 s3, s9;
	s6 =	sadd.s32 @!p0 $0x88, s6;
	s7 =	simm.s32 @p2 $0x1082  }
0x22: {  	[simem:s7], [sflag:s8] =	dma.local @!p0 [hbm:s6], $0xF7A  }
0x23: {  	s9 =	sor.u32 $0xD0000000, s2;
	s6 =	simm.s32 $0x108;
	_ =	swait.ge @!p0 [sflag:s8], $0x0  }
0x24: {  	s3 =	sadd.s32 $0x88, s3;
	s6 =	simm.s32 @!p1 $0x1082;
	[sflag:s4] =	ssyncset.s32 $0xFFFFF086  }
0x25: {  	[simem:s6], [sflag:s4] =	dma.local [hbm:s3], $0xF7A  }
0x26: {  	[smem:$0x3F9D] =	sst s1;
	(tag) =	ssettag s2;
	_ =	strace s9  }
0x27: {  	s1 =	sld [smem:$0x3FAD]  }
0x28: {  	s2 =	sld [smem:$0x3FAE]  }
0x29: {  	s4 =	sld [smem:$0x3FB0]  }
0x2a: {  	p0 =	seq.s32 s5, $0x0;
	s5 =	sld [smem:$0x3FB1]  }
0x2b: {  	s6 =	sld [smem:$0x3FB2]  }
0x2c: {  	s7 =	sld [smem:$0x3FB3]  }
0x2d: {  	s3 =	simm.s32 $0x108;
	s8 =	sld [smem:$0x3FB4]  }
0x2e: {  	s3 =	simm.s32 @!p0 $0x1082;
	s9 =	sld [smem:$0x3FB5]  }
0x2f: {  	lr =	sadd.s32 s0, s3;
	s0 =	sld [smem:$0x3FAC]  }
0x30: {  	s3 =	sld [smem:$0x3FAF]  }
0x31: {  	[smem:$0x3FB8] =	sst s10  }
0x32: {  	s10 =	sld [smem:$0x3FB6];
	_ =	sdelay $0x3  }
0x33: {  	p0 =	seq.s32 s10, $0x1;
	s10 =	sld [smem:$0x3FB8];
	_ =	sdelay $0x3  }
0x34: {  	[smem:$0x3FB8] =	sst s10  }
0x35: {  	s10 =	sld [smem:$0x3FB7];
	_ =	sdelay $0x3  }
0x36: {  	p1 =	seq.s32 s10, $0x1;
	s10 =	sld [smem:$0x3FB8];
	_ =	sdelay $0x3  }
0x37: {  	[smem:$0x3FB8] =	sst s10  }
0x38: {  	s10 =	sld [smem:$0x3FB9]  }
0x39: {  	_ = 	snop;
	(pc) =	sbr.ind lr, $3  }
0x3a: {  	_ = 	snop  }
0x3b: {  	_ = 	snop  }
0x3c: {  	p2 =	seq.s32 s10, $0x1;
	s10 =	sld [smem:$0x3FB8]  }
0x3d: {  	_ =	shalt  }
0x3e: {  	_ =	shalt  }
0x3f: {  	_ =	shalt  }
0x40: {  	_ =	shalt  }
0x41: {  	_ =	shalt  }
0x42: {  	_ =	shalt  }
0x43: {  	_ =	shalt  }
0x44: {  	_ =	shalt  }
0x45: {  	_ =	shalt  }
0x46: {  	_ =	shalt  }
0x47: {  	_ =	shalt  }
0x48: {  	_ =	shalt  }
0x49: {  	_ =	shalt  }
0x4a: {  	_ =	shalt  }
0x4b: {  	_ =	shalt  }
0x4c: {  	_ =	shalt  }
0x4d: {  	_ =	shalt  }
0x4e: {  	_ =	shalt  }
0x4f: {  	_ =	shalt  }
0x50: {  	_ =	shalt  }
0x51: {  	_ =	shalt  }
0x52: {  	_ =	shalt  }
0x53: {  	_ =	shalt  }
0x54: {  	_ =	shalt  }
0x55: {  	_ =	shalt  }
0x56: {  	_ =	shalt  }
0x57: {  	_ =	shalt  }
0x58: {  	_ =	shalt  }
0x59: {  	_ =	shalt  }
0x5a: {  	_ =	shalt  }
0x5b: {  	_ =	shalt  }
0x5c: {  	_ =	shalt  }
0x5d: {  	_ =	shalt  }
0x5e: {  	_ =	shalt  }
0x5f: {  	_ =	shalt  }
0x60: {  	_ =	shalt  }
0x61: {  	_ =	shalt  }
0x62: {  	_ =	shalt  }
0x63: {  	_ =	shalt  }
0x64: {  	_ =	shalt  }
0x65: {  	_ =	shalt  }
0x66: {  	_ =	shalt  }
0x67: {  	_ =	shalt  }
0x68: {  	_ =	shalt  }
0x69: {  	_ =	shalt  }
0x6a: {  	_ =	shalt  }
0x6b: {  	_ =	shalt  }
0x6c: {  	_ =	shalt  }
0x6d: {  	_ =	shalt  }
0x6e: {  	_ =	shalt  }
0x6f: {  	_ =	shalt  }
0x70: {  	_ =	shalt  }
0x71: {  	_ =	shalt  }
0x72: {  	_ =	shalt  }
0x73: {  	_ =	shalt  }
0x74: {  	_ =	shalt  }
0x75: {  	_ =	shalt  }
0x76: {  	_ =	shalt  }
0x77: {  	_ =	shalt  }
0x78: {  	_ =	shalt  }
0x79: {  	_ =	shalt  }
0x7a: {  	_ =	shalt  }
0x7b: {  	_ =	shalt  }
0x7c: {  	_ =	shalt  }
0x7d: {  	_ =	shalt  }
0x7e: {  	_ =	shalt  }
0x7f: {  	_ =	shalt  }
0x80: {  	_ =	shalt  }
0x81: {  	_ =	shalt  }
0x82: {  	_ =	shalt  }
0x83: {  	_ =	shalt  }
0x84: {  	_ =	shalt  }
0x85: {  	_ =	shalt  }
0x86: {  	_ =	shalt  }
0x87: {  	_ =	shalt  }
.Lfunc_end0:
.L_simem_size_0:
called_computation_lowered:
.L_overlay_start_0:
0x88: {  	s2 =	sld [smem:$0x3FD9]  }
0x89: {  	s3 =	sld [smem:$0x3FFE];
	_ =	sdelay $0x1  }
0x8a: {  	s1 =	srdreg.scid  }
0x8b: {  	s0 =	sand.u32 $0x1, s1  }
0x8c: {  	s16 =	sshll.u32 s0, $0xA;
	s2 =	sadd.s32 s3, s2  }
0x8d: {  	s2 =	sadd.s32 s2, s16  }
0x8e: {  	[smem:$0x3FC4] =	sst s2  }
0x8f: {  	_ = 	snop  }
0x90: {  	(tm) =	ssettm $0x1  }
0x91: {  	s17 =	sld [smem:$0x3FFB];
	_ =	sdelay $0x3  }
0x92: {  	_ =	strace s17  }
0x93: {  	s2 =	sld [smem:$0x3FFC];
	_ =	sdelay $0x3  }
0x94: {  	_ =	strace s2  }
0x95: {  	s2 =	sld [smem:$0x3FFD];
	_ =	sdelay $0x3  }
0x96: {  	_ =	strace s2  }
0x97: {  	_ =	strace $0x8FFFFFFF  }
0x98: {  	s18 =	sld [smem:$0x3FDB];
	_ =	sdelay $0x1  }
0x99: {  	s19 =	simm.s32 $_scs_section_size  }
0x9a: {  	s4 =	simm.s32 $_size__tile_overlayer_lowered;
	s5 =	simm.s32 $_tile_overlayer_lowered  }
0x9b: {  	s22 =	simm.s32 $0x1BFF;
	s21 =	sshll.u32 s5, $0x1;
	s2 =	sadd.s32 s19, s18  }
0x9c: {  	s6 =	simm.s32 $0x0;
	s20 =	sshll.u32 s4, $0x1;
	s4 =	sadd.s32 s21, s2  }
0x9d: {  	[timem:s6], [sflag:s22] =	dma.local [hbm:s4], s20  }
0x9e: {  	_ =	swait.ge [sflag:s22], s20  }
0x9f: {  	s3 =	ssub.s32 $0x0, s20;
	[sflag:s22] =	ssyncset.done $0x0  }
0xa0: {  	[sflag:s22] =	ssyncadd.s32 s3;
	_ =	sdelay $0x1  }
0xa1: {  	s23 =	simm.s32 $0x1B8B  }
0xa2: {  	_ =	swait.ge [sflag:s23], $0x1  }
0xa3: {  	[sflag:s23] =	ssyncset.done $0x0  }
0xa4: {  	s25 =	simm.s32 $0x1B8E;
	s24 =	sld [smem:$0x3FFE];
	[sflag:s23] =	ssyncadd.s32 $0xFFFFFFFF  }
0xa5: {  	s26 =	simm.s32 $execute0_lowered;
	[smem:$0x3FD2] =	sst s25  }
0xa6: {  	s4 =	sshll.u32 s26, $0x1;
	_ =	strace $0x80000046;
	[dreg:$0x1] =	wrdreg $0xFFFFFFFF  }
0xa7: {  	s28 =	simm.s32 $_size_execute0_lowered;
	s2 =	sadd.s32 s2, s4;
	[dreg:$0x0] =	wrdreg $0x0  }
0xa8: {  	s4 =	sshll.u32 s28, $0x1;
	[dreg:$0x2] =	wrdreg s2  }
0xa9: {  	[dreg:$0x3] =	wrdreg s4  }
0xaa: {  	[dreg:$0x4] =	wrdreg $0xC0  }
0xab: {  	_ =	task [dreg:s6], $0x5FFFF  }
0xac: {  	[dreg:$0x1] =	wrdreg $0xFFFFFFFF  }
0xad: {  	[dreg:$0x0] =	wrdreg $0x60  }
0xae: {  	[dreg:$0x2] =	wrdreg s24  }
0xaf: {  	[dreg:$0x3] =	wrdreg $0x9  }
0xb0: {  	_ =	task.clear_ibuf [dreg:s6], $0x4FFFF;
	_ =	strace $0x90000046  }
0xb1: {  	s29 =	simm.s32 $0x9;
	_ =	strace $0x80000048  }
0xb2: {  	_ =	swait.ge [sflag:s29], $0x1  }
0xb3: {  	[sflag:s29] =	ssyncadd.s32 $0xFFFFFFFF  }
0xb4: {  	_ =	strace $0x90000048  }
0xb5: {  	_ =	sfence  }
0xb6: {  	s30 =	sld [smem:$0x0];
	_ =	sdelay $0x2  }
0xb7: {  	s31 =	sshll.u32 s1, $0xD;
	s1 =	sshrl.u32 s1, $0x2  }
0xb8: {  	s3 =	sand.u32 $0x4000, s31;
	s1 =	sadd.s32 s1, s30  }
0xb9: {  	s0 =	sor.u32 s3, s0;
	s1 =	sshll.u32 s1, $0x11  }
0xba: {  	s0 =	sor.u32 s1, s0  }
0xbb: {  	s0 =	sadd.s32 $0x8F2B, s0  }
0xbc: {  	[sflag:s0] =	ssyncadd.remote.s32 $0x1  }
0xbd: {  	_ =	sfence.sel $0xFFFF  }
0xbe: {  	[dreg:$0x0] =	wrdreg $0xFFFFFFFF;
	(pc) =	sbr.abs _section_cstart, $3  }
0xbf: {  	[dreg:$0x1] =	wrdreg $0xFFFFFFFF  }
0xc0: {  	_ =	task.clear_ibuf [dreg:s6], $0x2FFFF;
	_ =	strace $0x9FFFFFFF  }
0xc1: {  	(tm) =	ssettm $0x7FFFFFFF  }
tec
execute0_lowered:
.L_overlay_start_1:
0x0: {  	(tag) =	ssettag $0x1  }
0x1: {  	s3 =	rddreg [dreg:$0x0];
	s1 =	srdreg.scid  }
0x2: {  	s0 =	rddreg [dreg:$0x1];
	s2 =	simm.s32 $0x0;
	s8 =	simm.s32 $0x1  }
0x3: {  	s9 =	simm.s32 $0x10000;
	s10 =	simm.s32 $0x0;
	s4 =	sand.u32 $0x1, s1  }
0x4: {  	[smem:$0x7FF] =	sst s2;
	s1 =	stileid.u32;
	s5 =	sshll.u32 s4, $0x4  }
0x5: {  	s6 =	sshll.u32 s1, $0x4;
	s4 =	ssub.s32 $0x2, s4;
	s5 =	sor.u32 s1, s5  }
0x6: {  	s6 =	sand.u32 $0x70, s6;
	s7 =	smul.u32 $0x180, s5;
	s5 =	sshll.u32 s5, $0xD  }
0x7: {  	s30 =	sshrl.u32 s4, $0x1;
	s6 =	sadd.s32 s6, s3;
	s5 =	sand.u32 $0x30000, s5  }
0x8: {  	_ =	strace $0x80000047;
	s31 =	ssub.s32 s4, s30;
	s5 =	sadd.s32 s5, s6  }
0x9: {  	s7 =	sadd.s32 s7, s3;
	s6 =	simm.s32 $0x80;
	s3 =	sadd.s32 $0x1200, s5  }
0xa: {  	v0 =	vimm.f32 $0.0e+00;
	s4 =	sadd.s32 $0x41200, s7;
	s5 =	smax.u32 s31, $0x1;
	s7 =	simm.s32 $0x400  }
.LBB2_1:
0xb: {  	[tilespmem:s2], [sflag:$0x1] =	stream.strided.gather [hbm4b:s3+s6], $0x10000, s7, s6, $0x38;
	[tilespmem:$0x10C00] =	vst v63  }
0xc: {  	_ =	swait.ge [sflag:s8], $0x10000  }
0xd: {  	[sflag:s8] =	ssyncset.done $0x0  }
0xe: {  	s11 =	simm.s32 $0x0;
	[sflag:s8] =	ssyncadd.s32 $0xFFFF0000  }
0xf: {  	v1 =	vld [tilespmem:s11+$0x0];
	_ =	sdelay $0x1  }
0x10: {  	v9 =	vimm.f32 $0.0e+00;
	v18 =	vimm.f32 $0.0e+00;
	v11 =	vimm.f32 $0.0e+00  }
0x11: {  	v17 =	vimm.f32 $0.0e+00;
	v16 =	vimm.f32 $0.0e+00;
	v21 =	vimm.f32 $0.0e+00  }
0x12: {  	v19 =	vimm.f32 $0.0e+00;
	v22 =	vimm.f32 $0.0e+00;
	v12 =	vimm.f32 $0.0e+00  }
0x13: {  	v10 =	vimm.f32 $0.0e+00;
	vm0 =	veq.s32 v1, $0x0;
	vm2 =	veq.s32 v1, $0x1  }
0x14: {  	vm3 =	veq.s32 v1, $0x3;
	vm5 =	veq.s32 v1, $0x4;
	vm1 =	veq.s32 v1, $0x6  }
0x15: {  	vm4 =	veq.s32 v1, $0x7;
	vm6 =	veq.s32 v1, $0x9;
	vm7 =	veq.s32 v1, $0xA  }
0x16: {  	vm8 =	veq.s32 v1, $0x12;
	vm15 =	veq.s32 v1, $0xE;
	v15 =	vsel vm4, $0x3F800000, v0  }
0x17: {  	vm4 =	veq.s32 v1, $0xC;
	v2 =	vsel vm8, $0x3F800000, v0;
	v4 =	vsel vm1, $0x3F800000, v0  }
0x18: {  	vm1 =	veq.s32 v1, $0xF;
	v7 =	vsel vm2, $0x3F800000, v0;
	v20 =	vsel vm15, $0x3F800000, v0  }
0x19: {  	v8 =	vsel vm3, $0x3F800000, v0;
	vm2 =	veq.s32 v1, $0x8;
	vm3 =	veq.s32 v1, $0x5  }
0x1a: {  	v23 =	vsel vm6, $0x3F800000, v0;
	v25 =	vsel vm5, $0x3F800000, v0;
	vm5 =	veq.s32 v1, $0xB  }
0x1b: {  	v5 =	vsel vm4, $0x3F800000, v0;
	vm4 =	veq.s32 v1, $0x10;
	v2 =	vadd.f32 v2, v0  }
0x1c: {  	v6 =	vadd.f32 v4, v0;
	v13 =	vadd.f32 v7, v0;
	v7 =	vsel vm7, $0x3F800000, v0  }
0x1d: {  	v14 =	vadd.f32 v8, v0;
	v24 =	vsel vm5, $0x3F800000, v0;
	v8 =	vimm.f32 $0.0e+00  }
0x1e: {  	v3 =	vsel vm4, $0x3F800000, v0;
	v4 =	vadd.f32 v5, v0;
	vm4 =	veq.s32 v1, $0x2  }
0x1f: {  	s11 =	simm.s32 $0x40;
	v7 =	vadd.f32 v7, v0;
	v5 =	vimm.f32 $0.0e+00;
	v3 =	vadd.f32 v3, v0  }
.LBB2_2:
0x20: {  	s12 =	sshra.s32 s11, $0x2;
	p0 =	sne.s32 s11, $0x3FFC0;
	s11 =	sadd.s32 $0x40, s11;
	v26 =	vsel vm2, $0x3F800000, v0;
	v9 =	vadd.f32 v24, v9;
	vm2 =	veq.s32 v1, $0xD  }
0x21: {  	v18 =	vadd.f32 v25, v18;
	v11 =	vadd.f32 v23, v11;
	vm5 =	veq.s32 v1, $0x11;
	v1 =	vld [tilespmem:s12+$0x0]  }
0x22: {  	v23 =	vsel vm4, $0x3F800000, v0;
	v24 =	vsel vm3, $0x3F800000, v0;
	v8 =	vadd.f32 v20, v8  }
0x23: {  	v17 =	vadd.f32 v15, v17;
	v15 =	vsel vm1, $0x3F800000, v0;
	v16 =	vadd.f32 v26, v16  }
0x24: {  	v20 =	vsel vm0, $0x3F800000, v0;
	v21 =	vadd.f32 v23, v21;
	v23 =	vsel vm5, $0x3F800000, v0  }
0x25: {  	v19 =	vadd.f32 v24, v19;
	v24 =	vsel vm2, $0x3F800000, v0;
	v5 =	vadd.f32 v23, v5  }
0x26: {  	v22 =	vadd.f32 v20, v22;
	vm0 =	veq.s32 v1, $0x0;
	vm2 =	veq.s32 v1, $0x1  }
0x27: {  	v12 =	vadd.f32 v24, v12;
	vm3 =	veq.s32 v1, $0x3;
	vm5 =	veq.s32 v1, $0x4  }
0x28: {  	v10 =	vadd.f32 v15, v10;
	vm1 =	veq.s32 v1, $0x6;
	vm4 =	veq.s32 v1, $0x7  }
0x29: {  	vm6 =	veq.s32 v1, $0x9;
	vm7 =	veq.s32 v1, $0xA;
	vm8 =	veq.s32 v1, $0x12  }
0x2a: {  	v15 =	vsel vm4, $0x3F800000, v0;
	vm4 =	veq.s32 v1, $0xC;
	v20 =	vsel vm8, $0x3F800000, v0  }
0x2b: {  	v23 =	vsel vm1, $0x3F800000, v0;
	vm8 =	veq.s32 v1, $0xE;
	vm1 =	veq.s32 v1, $0xF  }
0x2c: {  	v24 =	vsel vm4, $0x3F800000, v0;
	vm4 =	veq.s32 v1, $0x10;
	v2 =	vadd.f32 v20, v2  }
0x2d: {  	v25 =	vsel vm2, $0x3F800000, v0;
	v20 =	vsel vm8, $0x3F800000, v0;
	v26 =	vsel vm4, $0x3F800000, v0  }
.Ltmp0:
0x2e: {  	v27 =	vsel vm3, $0x3F800000, v0;
	vm2 =	veq.s32 v1, $0x8;
	v3 =	vadd.f32 v26, v3;
	(pc) =	sbr.rel @p0 .LBB2_2-.Ltmp0, $4  }
0x2f: {  	vm3 =	veq.s32 v1, $0x5;
	v6 =	vadd.f32 v23, v6;
	v23 =	vsel vm6, $0x3F800000, v0  }
0x30: {  	v13 =	vadd.f32 v25, v13;
	v4 =	vadd.f32 v24, v4;
	v26 =	vsel vm7, $0x3F800000, v0  }
0x31: {  	v25 =	vsel vm5, $0x3F800000, v0;
	vm5 =	veq.s32 v1, $0xB;
	vm4 =	veq.s32 v1, $0x2  }
0x32: {  	v14 =	vadd.f32 v27, v14;
	v24 =	vsel vm5, $0x3F800000, v0;
	v7 =	vadd.f32 v26, v7  }
0x33: {  	[tilespmem:$0x10080] =	vst v13  }
0x34: {  	[tilespmem:$0x10300] =	vst v6  }
0x35: {  	[tilespmem:$0x10600] =	vst v4  }
0x36: {  	[tilespmem:$0x10800] =	vst v3  }
0x37: {  	[tilespmem:$0x10900] =	vst v2  }
0x38: {  	v55 =	vadd.f32 v25, v18;
	[tilespmem:$0x10180] =	vst v14  }
0x39: {  	v58 =	vadd.f32 v15, v17;
	[tilespmem:$0x10500] =	vst v7  }
0x3a: {  	v59 =	vadd.f32 v23, v11;
	[tilespmem:$0x10200] =	vst v55  }
0x3b: {  	v9 =	vadd.f32 v24, v9;
	[tilespmem:$0x10380] =	vst v58  }
0x3c: {  	v26 =	vsel vm0, $0x3F800000, v0;
	v61 =	vadd.f32 v20, v8;
	[tilespmem:$0x10480] =	vst v59  }
0x3d: {  	v54 =	vsel vm4, $0x3F800000, v0;
	v22 =	vadd.f32 v26, v22;
	[tilespmem:$0x10580] =	vst v9  }
0x3e: {  	v56 =	vsel vm3, $0x3F800000, v0;
	v21 =	vadd.f32 v54, v21;
	[tilespmem:$0x10700] =	vst v61  }
0x3f: {  	v57 =	vsel vm2, $0x3F800000, v0;
	v18 =	vadd.f32 v56, v19;
	[tilespmem:$0x10000] =	vst v22  }
0x40: {  	vm14 =	veq.s32 v1, $0xD;
	v62 =	vsel vm1, $0x3F800000, v0;
	v13 =	vadd.f32 v57, v16;
	[tilespmem:$0x10100] =	vst v21  }
0x41: {  	vm15 =	veq.s32 v1, $0x11;
	v60 =	vsel vm14, $0x3F800000, v0;
	v1 =	vadd.f32 v62, v10;
	[tilespmem:$0x10280] =	vst v18  }
0x42: {  	v63 =	vsel vm15, $0x3F800000, v0;
	v6 =	vadd.f32 v60, v12;
	[tilespmem:$0x10400] =	vst v13  }
0x43: {  	s10 =	sadd.s32 $0x1, s10;
	v4 =	vadd.f32 v63, v5;
	[tilespmem:$0x10780] =	vst v1  }
0x44: {  	p0 =	sne.s32 s10, s5;
	[tilespmem:$0x10680] =	vst v6  }
.Ltmp1:
0x45: {  	[tilespmem:$0x10880] =	vst v4;
	(pc) =	sbr.rel @p0 .LBB2_1-.Ltmp1, $4  }
0x46: {  	[hbm4b:s4+s2] =	stream.linear.scatter [tilespmem:s9], [sflag:$0x1], $0x980, $0x38;
	[tilespmem:$0x10C00] =	vst v63  }
0x47: {  	_ =	swait.ge [sflag:s8], $0x980  }
0x48: {  	[sflag:s8] =	ssyncset.done $0x0  }
0x49: {  	[sflag:s8] =	ssyncadd.s32 $0xFFFFF680  }
0x4a: {  	_ =	sfence.sel $0x180000  }
0x4b: {  	[bflag:$0x0] =	sbarrier.arrive $0xFFFF  }
0x4c: {  	p0 =	sne.s32 s1, $0x0;
	_ =	strace $0x90000047  }
0x4d: {  	s0 =	sadd.s32 @!p0 $0x100000, s0;
	[bflag:$0x2] =	sbarrier.arrive $0xFFFF  }
0x4e: {  	[sflag:s0] =	ssyncadd.tile.s32 @!p0 $0x1;
	_ =	shalt  }
.Lfunc_end2:
_tile_overlayer_lowered:
.L_overlay_start_2:
0x4f: {  	(tag) =	ssettag $0x2  }
0x50: {  	s0 =	rddreg [dreg:$0x0];
	s2 =	stileid.u32  }
0x51: {  	s1 =	rddreg [dreg:$0x1];
	p0 =	sne.s32 s2, $0x0  }
0x52: {  	s3 =	rddreg [dreg:$0x2];
	[bflag:$0x3] =	sbarrier.arrive $0xFFFF;
	s2 =	simm.s32 @!p0 $0x1C02  }
0x53: {  	[timem:s3], [sflag:s2] =	dma.local @!p0 [hbm:s0], s1  }
0x54: {  	s0 =	simm.s32 @!p0 $0x2  }
0x55: {  	_ =	swait.ge @!p0 [sflag:s0], s1  }
0x56: {  	s1 =	ssub.s32 @!p0 $0x0, s1;
	[sflag:s0] =	ssyncset.done @!p0 $0x0  }
0x57: {  	[sflag:s0] =	ssyncadd.s32 @!p0 s1  }
0x58: {  	[bflag:$0x3] =	sbarrier.arrive $0xFFFF  }
0x59: {  	_ =	shalt  }

</sc_bundles>
